<compile_context>
chip_gen: v7x
topology: tpu7x:2x2x1
jax: 0.10.2.dev20260603
libtpu: 0.0.44.dev20260713+nightly
codegen_flags: <defaults>
</compile_context>

<pallas_src>
import functools

import jax
import jax.numpy as jnp
from jax import lax
from jax.experimental import pallas as pl
from jax.experimental.pallas import tpu as pltpu
from jax.experimental.pallas import tpu_sc as plsc

B = 16384
D = 128
EPS = 1e-5


try:
    _info = plsc.get_sparse_core_info()
    _NC = _info.num_cores
    _NS = _info.num_subcores
except Exception:
    _NC, _NS = 2, 16
_NW = _NC * _NS
_BPW = B // _NW
_CH = 128
_NCH = _BPW // _CH


def _sc_gather2_cat(uidx, iidx, t0, t1):
    mesh = plsc.VectorSubcoreMesh(core_axis_name="c", subcore_axis_name="s")
    f32 = jnp.float32

    @functools.partial(
        pl.kernel,
        mesh=mesh,
        out_type=jax.ShapeDtypeStruct((B, 2 * D), f32),
        scratch_types=(
            [pltpu.VMEM((_CH,), jnp.int32) for _ in range(4)]
            + [pltpu.VMEM((_CH, D), f32) for _ in range(4)]
            + [pltpu.SemaphoreType.DMA for _ in range(4)]
        ),
    )
    def gather_k(uidx_h, iidx_h, t0_h, t1_h, o_h,
                 uv0, uv1, iv0, iv1,
                 b00, b10, b01, b11,
                 g0, g1, s0, s1):
        uv = (uv0, uv1)
        iv = (iv0, iv1)
        ubuf = (b00, b01)
        ibuf = (b10, b11)
        gsem = (g0, g1)
        ssem = (s0, s1)
        wid = lax.axis_index("s") * _NC + lax.axis_index("c")
        base = wid * _BPW

        def scat(j, p):
            off = base + j * _CH
            return (
                pltpu.async_copy(ubuf[p],
                                 o_h.at[pl.ds(off, _CH), pl.ds(0, D)],
                                 ssem[p]),
                pltpu.async_copy(ibuf[p],
                                 o_h.at[pl.ds(off, _CH), pl.ds(D, D)],
                                 ssem[p]),
            )

        gh = [None] * _NCH
        sh = [None] * _NCH
        pltpu.sync_copy(uidx_h.at[pl.ds(base, _CH)], uv[0])
        pltpu.sync_copy(iidx_h.at[pl.ds(base, _CH)], iv[0])
        for j in range(_NCH):
            p = j % 2
            if j >= 2:
                sh[j - 2][0].wait()
                sh[j - 2][1].wait()
            gh[j] = (pltpu.async_copy(t0_h.at[uv[p]], ubuf[p], gsem[p]),
                     pltpu.async_copy(t1_h.at[iv[p]], ibuf[p], gsem[p]))
            if j >= 1:
                gh[j - 1][0].wait()
                gh[j - 1][1].wait()
                sh[j - 1] = scat(j - 1, 1 - p)
            if j + 1 < _NCH:
                off_n = base + (j + 1) * _CH
                pltpu.sync_copy(uidx_h.at[pl.ds(off_n, _CH)], uv[1 - p])
                pltpu.sync_copy(iidx_h.at[pl.ds(off_n, _CH)], iv[1 - p])
        j = _NCH - 1
        p = j % 2
        gh[j][0].wait()
        gh[j][1].wait()
        sh[j] = scat(j, p)
        sh[j - 1][0].wait()
        sh[j - 1][1].wait()
        sh[j][0].wait()
        sh[j][1].wait()

    return gather_k(uidx, iidx, t0, t1)



_BLK = 4096
_NB = B // _BLK


def _leaky(z):
    return jnp.maximum(z, 0.1 * z)


def _accum_stats(a, st_ref):
    ps = jnp.stack([jnp.sum(a, axis=0), jnp.sum(a * a, axis=0)])

    @pl.when(pl.program_id(0) == 0)
    def _():
        st_ref[...] = ps

    @pl.when(pl.program_id(0) > 0)
    def _():
        st_ref[...] = st_ref[...] + ps


def _norm_params(st, g, be):
    m = st[0] * (1.0 / B)
    var = st[1] * (1.0 / B) - m * m
    scale = g * lax.rsqrt(var + EPS)
    shift = be - m * scale
    return scale, shift


def _stats_vpu(a, st_ref):
    ps = jnp.stack([jnp.sum(a, axis=0), jnp.sum(a * a, axis=0)])

    @pl.when(pl.program_id(1) == 0)
    def _():
        st_ref[...] = ps

    @pl.when(pl.program_id(1) > 0)
    def _():
        st_ref[...] = st_ref[...] + ps


def _mega_body(xall_ref,
               w1_ref, b1_ref, g1_ref, be1_ref,
               w2_ref, b2_ref, g2_ref, be2_ref,
               w3_ref, b3_ref,
               h3o_ref, st3o_ref,
               h1s, h2s, st1, st2,
               w2p, b2p, w3p, b3p):
    s = pl.program_id(0)
    i = pl.program_id(1)
    rows = pl.ds(i * _BLK, _BLK)
    bf16 = jnp.bfloat16
    f32 = jnp.float32

    @pl.when(s == 0)
    def _():
        w = w1_ref[...].astype(bf16)
        z = (jnp.dot(xall_ref[...].astype(bf16), w,
                     preferred_element_type=f32)
             + b1_ref[...])
        a = _leaky(z)
        ab = a.astype(bf16)
        h1s[rows, :] = ab
        _stats_vpu(a, st1)

    @pl.when(s == 1)
    def _():
        @pl.when(i == 0)
        def _():
            scale, shift = _norm_params(st1[...], g1_ref[...], be1_ref[...])
            wf = w2_ref[...]
            w2p[...] = (scale[:, None] * wf).astype(bf16)
            b2p[...] = (jnp.dot(shift[None, :], wf,
                                preferred_element_type=f32)
                        + b2_ref[...][None, :])

        z = (jnp.dot(h1s[rows, :], w2p[...], preferred_element_type=f32)
             + b2p[...])
        a = _leaky(z)
        ab = a.astype(bf16)
        h2s[rows, :] = ab
        _stats_vpu(a, st2)

    @pl.when(s == 2)
    def _():
        @pl.when(i == 0)
        def _():
            scale, shift = _norm_params(st2[...], g2_ref[...], be2_ref[...])
            wf = w3_ref[...]
            w3p[...] = (scale[:, None] * wf).astype(bf16)
            b3p[...] = (jnp.dot(shift[None, :], wf,
                                preferred_element_type=f32)
                        + b3_ref[...][None, :])

        z = (jnp.dot(h2s[rows, :], w3p[...], preferred_element_type=f32)
             + b3p[...])
        a = _leaky(z)
        h3o_ref[...] = a.astype(bf16)
        _stats_vpu(a, st3o_ref)


def _head_body(h3_ref, st3_ref, g3_ref, be3_ref, gcat_ref, wo_ref, bo_ref,
               o_ref, wav, wbv, csc):
    i = pl.program_id(0)
    bf16 = jnp.bfloat16
    f32 = jnp.float32
    wo = wo_ref[...]

    @pl.when(i == 0)
    def _():
        scale, shift = _norm_params(st3_ref[...], g3_ref[...], be3_ref[...])
        wav[...] = wo[:D].astype(bf16)
        wbv[...] = (scale[:, None] * wo[D:]).astype(bf16)
        csc[0, 0] = jnp.sum(shift[:, None] * wo[D:]) + bo_ref[0]

    g2 = gcat_ref[...]
    gmf = (g2[:, :D] * g2[:, D:]).astype(bf16)
    r = (jnp.dot(gmf, wav[...], preferred_element_type=f32)
         + jnp.dot(h3_ref[...], wbv[...], preferred_element_type=f32)
         )[:, 0] + csc[0, 0]
    o_ref[...] = jax.nn.sigmoid(r)



def kernel(user_indices, item_indices, ue_gmf, ie_gmf, ue_mlp, ie_mlp,
           W1, b1, g1, be1, W2, b2, g2, be2, W3, b3, g3, be3, Wo, bo):
    uidx = user_indices.astype(jnp.int32)
    iidx = item_indices.astype(jnp.int32)

    xall = _sc_gather2_cat(uidx, iidx, ue_mlp, ie_mlp)

    f32 = jnp.float32
    bf16 = jnp.bfloat16

    def stage0_rows(h):
        return pl.BlockSpec(
            (_BLK, h), lambda s, i: (jnp.where(s == 0, i, 0), 0))

    def const2():
        return pl.BlockSpec(None, lambda s, i: (0, 0))

    def const1():
        return pl.BlockSpec(None, lambda s, i: (0,))

    h3, st3 = pl.pallas_call(
        _mega_body,
        grid=(3, _NB),
        in_specs=[stage0_rows(2 * D),
                  const2(), const1(), const1(), const1(),
                  const2(), const1(), const1(), const1(),
                  const2(), const1()],
        out_specs=[pl.BlockSpec((_BLK, D),
                                lambda s, i: (jnp.where(s == 2, i, 0), 0)),
                   const2()],
        out_shape=[jax.ShapeDtypeStruct((B, D), bf16),
                   jax.ShapeDtypeStruct((2, D), f32)],
        scratch_shapes=[
            pltpu.VMEM((B, 512), bf16),
            pltpu.VMEM((B, 256), bf16),
            pltpu.VMEM((2, 512), f32),
            pltpu.VMEM((2, 256), f32),
            pltpu.VMEM((512, 256), bf16),
            pltpu.VMEM((1, 256), f32),
            pltpu.VMEM((256, 128), bf16),
            pltpu.VMEM((1, 128), f32),
        ],
    )(xall,
      W1, b1, g1, be1,
      W2, b2, g2, be2,
      W3, b3)

    gcat = _sc_gather2_cat(uidx, iidx, ue_gmf, ie_gmf)

    out = pl.pallas_call(
        _head_body,
        grid=(_NB,),
        in_specs=[pl.BlockSpec((_BLK, D), lambda i: (i, 0)),
                  pl.BlockSpec(None, lambda i: (0, 0)),
                  pl.BlockSpec(None, lambda i: (0,)),
                  pl.BlockSpec(None, lambda i: (0,)),
                  pl.BlockSpec((_BLK, 2 * D), lambda i: (i, 0)),
                  pl.BlockSpec(None, lambda i: (0, 0)),
                  pl.BlockSpec(None, lambda i: (0,))],
        out_specs=pl.BlockSpec((_BLK,), lambda i: (i,)),
        out_shape=jax.ShapeDtypeStruct((B,), f32),
        scratch_shapes=[
            pltpu.VMEM((D, 1), bf16),
            pltpu.VMEM((D, 1), bf16),
            pltpu.SMEM((1, 1), f32),
        ],
    )(h3, st3, g3, be3, gcat, Wo, bo)

    return out

# --- scband reference (transcript-rebuilt; emitter-appended) ---
"""Pipeline reference for scband-crypto-ncfmodel-24678882083646 (READ-ONLY COPY).

The authoritative reference and input builder live on the scoring server;
editing this copy changes nothing except your own understanding.
"""

import jax, jax.numpy as jnp
import numpy as np

B = 16384
NU = 100000
NI = 100000
D = 128
LAYERS = [512, 256, 128]


def setup_inputs(seed: int = 0) -> dict:
    key = jax.random.key(seed)
    ks = jax.random.split(key, 32)
    inp = {}
    inp["user_indices"] = jax.random.randint(ks[0], (B,), 0, NU)
    inp["item_indices"] = jax.random.randint(ks[1], (B,), 0, NI)
    inp["ue_gmf"] = jax.random.normal(ks[2], (NU, D), dtype=jnp.float32) * 0.01
    inp["ie_gmf"] = jax.random.normal(ks[3], (NI, D), dtype=jnp.float32) * 0.01
    inp["ue_mlp"] = jax.random.normal(ks[4], (NU, D), dtype=jnp.float32) * 0.01
    inp["ie_mlp"] = jax.random.normal(ks[5], (NI, D), dtype=jnp.float32) * 0.01
    kidx = 6
    prev = 2 * D
    for i, h in enumerate(LAYERS, start=1):
        inp[f"W{i}"] = jax.random.normal(
            ks[kidx], (prev, h), dtype=jnp.float32
        ) * np.sqrt(2.0 / prev)
        kidx += 1
        inp[f"b{i}"] = jnp.zeros((h,), dtype=jnp.float32)
        inp[f"g{i}"] = jnp.ones((h,), dtype=jnp.float32)
        inp[f"be{i}"] = jnp.zeros((h,), dtype=jnp.float32)
        prev = h
    fan_in = LAYERS[-1] + D
    inp["Wo"] = jax.random.normal(ks[kidx], (fan_in, 1), dtype=jnp.float32) * np.sqrt(
        2.0 / fan_in
    )
    inp["bo"] = jnp.zeros((1,), dtype=jnp.float32)
    return inp


def _bn(x, g, b, eps=1e-5):
    # BatchNorm1d in training mode: per-batch mean and biased variance
    m = x.mean(axis=0)
    v = x.var(axis=0)
    return (x - m) / jnp.sqrt(v + eps) * g + b


def reference(
    user_indices,
    item_indices,
    ue_gmf,
    ie_gmf,
    ue_mlp,
    ie_mlp,
    W1,
    b1,
    g1,
    be1,
    W2,
    b2,
    g2,
    be2,
    W3,
    b3,
    g3,
    be3,
    Wo,
    bo,
):
    # GMF branch: embedding gathers + elementwise product
    gmf = jnp.take(ue_gmf, user_indices, axis=0) * jnp.take(
        ie_gmf, item_indices, axis=0
    )
    # MLP branch
    x = jnp.concatenate(
        [
            jnp.take(ue_mlp, user_indices, axis=0),
            jnp.take(ie_mlp, item_indices, axis=0),
        ],
        axis=-1,
    )
    for W, b, g, be in ((W1, b1, g1, be1), (W2, b2, g2, be2), (W3, b3, g3, be3)):
        x = x @ W + b
        x = jnp.where(x > 0, x, 0.1 * x)  # LeakyReLU(0.1)
        x = _bn(x, g, be)
        # Dropout(p=0.0) is identity
    combined = jnp.concatenate([gmf, x], axis=-1)
    out = jax.nn.sigmoid(combined @ Wo + bo)
    return out.reshape(-1)

if __name__ == "__main__":
    import jax
    _d = setup_inputs()
    print(jax.jit(kernel)(*tuple(_d.values())))

</pallas_src>

<mosaic_0001>
#map = affine_map<(d0, d1) -> (0)>
#map1 = affine_map<(d0, d1) -> (0, 0)>
module attributes {stable_mosaic.version = 14 : i64} {
  func.func @gather_k(%arg0: i32, %arg1: i32, %arg2: memref<16384xi32, #tpu.memory_space<hbm>>, %arg3: memref<16384xi32, #tpu.memory_space<hbm>>, %arg4: memref<100000x128xf32, #tpu.memory_space<hbm>>, %arg5: memref<100000x128xf32, #tpu.memory_space<hbm>>, %arg6: memref<16384x256xf32, #tpu.memory_space<hbm>>, %arg7: memref<128xi32, #tpu.memory_space<vmem>>, %arg8: memref<128xi32, #tpu.memory_space<vmem>>, %arg9: memref<128xi32, #tpu.memory_space<vmem>>, %arg10: memref<128xi32, #tpu.memory_space<vmem>>, %arg11: memref<128x128xf32, #tpu.memory_space<vmem>>, %arg12: memref<128x128xf32, #tpu.memory_space<vmem>>, %arg13: memref<128x128xf32, #tpu.memory_space<vmem>>, %arg14: memref<128x128xf32, #tpu.memory_space<vmem>>, %arg15: memref<!tpu.dma_semaphore, #tpu.memory_space<semaphore_mem>>, %arg16: memref<!tpu.dma_semaphore, #tpu.memory_space<semaphore_mem>>, %arg17: memref<!tpu.dma_semaphore, #tpu.memory_space<semaphore_mem>>, %arg18: memref<!tpu.dma_semaphore, #tpu.memory_space<semaphore_mem>>) attributes {dimension_semantics = [#tpu.dimension_semantics<core_parallel>, #tpu.dimension_semantics<subcore_parallel>], iteration_bounds = array<i64: 2, 16>, scalar_prefetch = 0 : i64, scratch_operands = 12 : i64, tpu.core_type = #tpu.core_type<sc_vector_subcore>, window_params = [{transform_indices = #map}, {transform_indices = #map}, {transform_indices = #map1}, {transform_indices = #map1}, {transform_indices = #map1}]} {
    %mul3A = arith.constant 2 : i32
    %mul3A_0 = arith.muli %arg1, %mul3A : i32
    %add3A = arith.addi %mul3A_0, %arg0 : i32
    %mul3A_1 = arith.constant 512 : i32
    %mul3A_2 = arith.muli %add3A, %mul3A_1 : i32
    "tpu.region"() ({
      %run_scoped3A = tpu.sem_alloc : memref<!tpu.dma_semaphore, #tpu.memory_space<semaphore_mem>>
      %dma_start3A_127 = tpu.memref_slice %arg2[%mul3A_2] : memref<16384xi32, #tpu.memory_space<hbm>> -> memref<128xi32, #tpu.memory_space<hbm>>
      %dma_start3A_128 = tpu.memref_slice %arg2[%mul3A_2] : memref<16384xi32, #tpu.memory_space<hbm>> -> memref<128xi32, #tpu.memory_space<hbm>>
      tpu.enqueue_dma source(%dma_start3A_128 : memref<128xi32, #tpu.memory_space<hbm>>) target(%arg7 : memref<128xi32, #tpu.memory_space<vmem>>) target_semaphore(%run_scoped3A : memref<!tpu.dma_semaphore, #tpu.memory_space<semaphore_mem>>)
      %dma_wait3A_129 = tpu.memref_slice %arg2[%mul3A_2] : memref<16384xi32, #tpu.memory_space<hbm>> -> memref<128xi32, #tpu.memory_space<hbm>>
      %dma_wait3A_130 = tpu.memref_slice %arg2[%mul3A_2] : memref<16384xi32, #tpu.memory_space<hbm>> -> memref<128xi32, #tpu.memory_space<hbm>>
      tpu.wait_dma2 semaphore(%run_scoped3A : memref<!tpu.dma_semaphore, #tpu.memory_space<semaphore_mem>>) src(%dma_wait3A_130 : memref<128xi32, #tpu.memory_space<hbm>>) dst(%arg7 : memref<128xi32, #tpu.memory_space<vmem>>)
      tpu.yield
    }) : () -> ()
    "tpu.region"() ({
      %run_scoped3A = tpu.sem_alloc : memref<!tpu.dma_semaphore, #tpu.memory_space<semaphore_mem>>
      %dma_start3A_127 = tpu.memref_slice %arg3[%mul3A_2] : memref<16384xi32, #tpu.memory_space<hbm>> -> memref<128xi32, #tpu.memory_space<hbm>>
      %dma_start3A_128 = tpu.memref_slice %arg3[%mul3A_2] : memref<16384xi32, #tpu.memory_space<hbm>> -> memref<128xi32, #tpu.memory_space<hbm>>
      tpu.enqueue_dma source(%dma_start3A_128 : memref<128xi32, #tpu.memory_space<hbm>>) target(%arg9 : memref<128xi32, #tpu.memory_space<vmem>>) target_semaphore(%run_scoped3A : memref<!tpu.dma_semaphore, #tpu.memory_space<semaphore_mem>>)
      %dma_wait3A_129 = tpu.memref_slice %arg3[%mul3A_2] : memref<16384xi32, #tpu.memory_space<hbm>> -> memref<128xi32, #tpu.memory_space<hbm>>
      %dma_wait3A_130 = tpu.memref_slice %arg3[%mul3A_2] : memref<16384xi32, #tpu.memory_space<hbm>> -> memref<128xi32, #tpu.memory_space<hbm>>
      tpu.wait_dma2 semaphore(%run_scoped3A : memref<!tpu.dma_semaphore, #tpu.memory_space<semaphore_mem>>) src(%dma_wait3A_130 : memref<128xi32, #tpu.memory_space<hbm>>) dst(%arg9 : memref<128xi32, #tpu.memory_space<vmem>>)
      tpu.yield
    }) : () -> ()
    %dma_start3A = arith.constant 0 : i32
    %dma_start3A_3 = arith.constant 0 : i32
    %dma_start3A_4 = tpu.memref_slice %arg4[%dma_start3A, %dma_start3A_3] : memref<100000x128xf32, #tpu.memory_space<hbm>> -> memref<100000x128xf32, #tpu.memory_space<hbm>>
    tpu.enqueue_indirect_dma source(%dma_start3A_4 : memref<100000x128xf32, #tpu.memory_space<hbm>>) target(%arg11 : memref<128x128xf32, #tpu.memory_space<vmem>>) offsets(%arg7 : memref<128xi32, #tpu.memory_space<vmem>>) semaphore(%arg15 : memref<!tpu.dma_semaphore, #tpu.memory_space<semaphore_mem>>)
    %dma_start3A_5 = arith.constant 0 : i32
    %dma_start3A_6 = arith.constant 0 : i32
    %dma_start3A_7 = tpu.memref_slice %arg5[%dma_start3A_5, %dma_start3A_6] : memref<100000x128xf32, #tpu.memory_space<hbm>> -> memref<100000x128xf32, #tpu.memory_space<hbm>>
    tpu.enqueue_indirect_dma source(%dma_start3A_7 : memref<100000x128xf32, #tpu.memory_space<hbm>>) target(%arg12 : memref<128x128xf32, #tpu.memory_space<vmem>>) offsets(%arg9 : memref<128xi32, #tpu.memory_space<vmem>>) semaphore(%arg15 : memref<!tpu.dma_semaphore, #tpu.memory_space<semaphore_mem>>)
    %add3A_8 = arith.constant 128 : i32
    %add3A_9 = arith.addi %mul3A_2, %add3A_8 : i32
    "tpu.region"() ({
      %run_scoped3A = tpu.sem_alloc : memref<!tpu.dma_semaphore, #tpu.memory_space<semaphore_mem>>
      %dma_start3A_127 = tpu.memref_slice %arg2[%add3A_9] : memref<16384xi32, #tpu.memory_space<hbm>> -> memref<128xi32, #tpu.memory_space<hbm>>
      %dma_start3A_128 = tpu.memref_slice %arg2[%add3A_9] : memref<16384xi32, #tpu.memory_space<hbm>> -> memref<128xi32, #tpu.memory_space<hbm>>
      tpu.enqueue_dma source(%dma_start3A_128 : memref<128xi32, #tpu.memory_space<hbm>>) target(%arg8 : memref<128xi32, #tpu.memory_space<vmem>>) target_semaphore(%run_scoped3A : memref<!tpu.dma_semaphore, #tpu.memory_space<semaphore_mem>>)
      %dma_wait3A_129 = tpu.memref_slice %arg2[%add3A_9] : memref<16384xi32, #tpu.memory_space<hbm>> -> memref<128xi32, #tpu.memory_space<hbm>>
      %dma_wait3A_130 = tpu.memref_slice %arg2[%add3A_9] : memref<16384xi32, #tpu.memory_space<hbm>> -> memref<128xi32, #tpu.memory_space<hbm>>
      tpu.wait_dma2 semaphore(%run_scoped3A : memref<!tpu.dma_semaphore, #tpu.memory_space<semaphore_mem>>) src(%dma_wait3A_130 : memref<128xi32, #tpu.memory_space<hbm>>) dst(%arg8 : memref<128xi32, #tpu.memory_space<vmem>>)
      tpu.yield
    }) : () -> ()
    "tpu.region"() ({
      %run_scoped3A = tpu.sem_alloc : memref<!tpu.dma_semaphore, #tpu.memory_space<semaphore_mem>>
      %dma_start3A_127 = tpu.memref_slice %arg3[%add3A_9] : memref<16384xi32, #tpu.memory_space<hbm>> -> memref<128xi32, #tpu.memory_space<hbm>>
      %dma_start3A_128 = tpu.memref_slice %arg3[%add3A_9] : memref<16384xi32, #tpu.memory_space<hbm>> -> memref<128xi32, #tpu.memory_space<hbm>>
      tpu.enqueue_dma source(%dma_start3A_128 : memref<128xi32, #tpu.memory_space<hbm>>) target(%arg10 : memref<128xi32, #tpu.memory_space<vmem>>) target_semaphore(%run_scoped3A : memref<!tpu.dma_semaphore, #tpu.memory_space<semaphore_mem>>)
      %dma_wait3A_129 = tpu.memref_slice %arg3[%add3A_9] : memref<16384xi32, #tpu.memory_space<hbm>> -> memref<128xi32, #tpu.memory_space<hbm>>
      %dma_wait3A_130 = tpu.memref_slice %arg3[%add3A_9] : memref<16384xi32, #tpu.memory_space<hbm>> -> memref<128xi32, #tpu.memory_space<hbm>>
      tpu.wait_dma2 semaphore(%run_scoped3A : memref<!tpu.dma_semaphore, #tpu.memory_space<semaphore_mem>>) src(%dma_wait3A_130 : memref<128xi32, #tpu.memory_space<hbm>>) dst(%arg10 : memref<128xi32, #tpu.memory_space<vmem>>)
      tpu.yield
    }) : () -> ()
    %dma_start3A_10 = arith.constant 0 : i32
    %dma_start3A_11 = arith.constant 0 : i32
    %dma_start3A_12 = tpu.memref_slice %arg4[%dma_start3A_10, %dma_start3A_11] : memref<100000x128xf32, #tpu.memory_space<hbm>> -> memref<100000x128xf32, #tpu.memory_space<hbm>>
    tpu.enqueue_indirect_dma source(%dma_start3A_12 : memref<100000x128xf32, #tpu.memory_space<hbm>>) target(%arg13 : memref<128x128xf32, #tpu.memory_space<vmem>>) offsets(%arg8 : memref<128xi32, #tpu.memory_space<vmem>>) semaphore(%arg16 : memref<!tpu.dma_semaphore, #tpu.memory_space<semaphore_mem>>)
    %dma_start3A_13 = arith.constant 0 : i32
    %dma_start3A_14 = arith.constant 0 : i32
    %dma_start3A_15 = tpu.memref_slice %arg5[%dma_start3A_13, %dma_start3A_14] : memref<100000x128xf32, #tpu.memory_space<hbm>> -> memref<100000x128xf32, #tpu.memory_space<hbm>>
    tpu.enqueue_indirect_dma source(%dma_start3A_15 : memref<100000x128xf32, #tpu.memory_space<hbm>>) target(%arg14 : memref<128x128xf32, #tpu.memory_space<vmem>>) offsets(%arg10 : memref<128xi32, #tpu.memory_space<vmem>>) semaphore(%arg16 : memref<!tpu.dma_semaphore, #tpu.memory_space<semaphore_mem>>)
    %dma_wait3A = arith.constant 0 : i32
    %dma_wait3A_16 = arith.constant 0 : i32
    %dma_wait3A_17 = tpu.memref_slice %arg4[%dma_wait3A, %dma_wait3A_16] : memref<100000x128xf32, #tpu.memory_space<hbm>> -> memref<100000x128xf32, #tpu.memory_space<hbm>>
    tpu.wait_indirect_dma semaphore(%arg15 : memref<!tpu.dma_semaphore, #tpu.memory_space<semaphore_mem>>) src(%dma_wait3A_17 : memref<100000x128xf32, #tpu.memory_space<hbm>>) dst(%arg11 : memref<128x128xf32, #tpu.memory_space<vmem>>)
    %dma_wait3A_18 = arith.constant 0 : i32
    %dma_wait3A_19 = arith.constant 0 : i32
    %dma_wait3A_20 = tpu.memref_slice %arg5[%dma_wait3A_18, %dma_wait3A_19] : memref<100000x128xf32, #tpu.memory_space<hbm>> -> memref<100000x128xf32, #tpu.memory_space<hbm>>
    tpu.wait_indirect_dma semaphore(%arg15 : memref<!tpu.dma_semaphore, #tpu.memory_space<semaphore_mem>>) src(%dma_wait3A_20 : memref<100000x128xf32, #tpu.memory_space<hbm>>) dst(%arg12 : memref<128x128xf32, #tpu.memory_space<vmem>>)
    %add3A_21 = arith.constant 0 : i32
    %add3A_22 = arith.addi %mul3A_2, %add3A_21 : i32
    %dma_start3A_23 = arith.constant 0 : i32
    %dma_start3A_24 = tpu.memref_slice %arg6[%add3A_22, %dma_start3A_23] : memref<16384x256xf32, #tpu.memory_space<hbm>> -> memref<128x128xf32, #tpu.memory_space<hbm>>
    %dma_start3A_25 = arith.constant 0 : i32
    %dma_start3A_26 = tpu.memref_slice %arg6[%add3A_22, %dma_start3A_25] : memref<16384x256xf32, #tpu.memory_space<hbm>> -> memref<128x128xf32, #tpu.memory_space<hbm>>
    tpu.enqueue_dma source(%arg11 : memref<128x128xf32, #tpu.memory_space<vmem>>) target(%dma_start3A_26 : memref<128x128xf32, #tpu.memory_space<hbm>>) target_semaphore(%arg17 : memref<!tpu.dma_semaphore, #tpu.memory_space<semaphore_mem>>)
    %dma_start3A_27 = arith.constant 128 : i32
    %dma_start3A_28 = tpu.memref_slice %arg6[%add3A_22, %dma_start3A_27] : memref<16384x256xf32, #tpu.memory_space<hbm>> -> memref<128x128xf32, #tpu.memory_space<hbm>>
    %dma_start3A_29 = arith.constant 128 : i32
    %dma_start3A_30 = tpu.memref_slice %arg6[%add3A_22, %dma_start3A_29] : memref<16384x256xf32, #tpu.memory_space<hbm>> -> memref<128x128xf32, #tpu.memory_space<hbm>>
    tpu.enqueue_dma source(%arg12 : memref<128x128xf32, #tpu.memory_space<vmem>>) target(%dma_start3A_30 : memref<128x128xf32, #tpu.memory_space<hbm>>) target_semaphore(%arg17 : memref<!tpu.dma_semaphore, #tpu.memory_space<semaphore_mem>>)
    %add3A_31 = arith.constant 256 : i32
    %add3A_32 = arith.addi %mul3A_2, %add3A_31 : i32
    "tpu.region"() ({
      %run_scoped3A = tpu.sem_alloc : memref<!tpu.dma_semaphore, #tpu.memory_space<semaphore_mem>>
      %dma_start3A_127 = tpu.memref_slice %arg2[%add3A_32] : memref<16384xi32, #tpu.memory_space<hbm>> -> memref<128xi32, #tpu.memory_space<hbm>>
      %dma_start3A_128 = tpu.memref_slice %arg2[%add3A_32] : memref<16384xi32, #tpu.memory_space<hbm>> -> memref<128xi32, #tpu.memory_space<hbm>>
      tpu.enqueue_dma source(%dma_start3A_128 : memref<128xi32, #tpu.memory_space<hbm>>) target(%arg7 : memref<128xi32, #tpu.memory_space<vmem>>) target_semaphore(%run_scoped3A : memref<!tpu.dma_semaphore, #tpu.memory_space<semaphore_mem>>)
      %dma_wait3A_129 = tpu.memref_slice %arg2[%add3A_32] : memref<16384xi32, #tpu.memory_space<hbm>> -> memref<128xi32, #tpu.memory_space<hbm>>
      %dma_wait3A_130 = tpu.memref_slice %arg2[%add3A_32] : memref<16384xi32, #tpu.memory_space<hbm>> -> memref<128xi32, #tpu.memory_space<hbm>>
      tpu.wait_dma2 semaphore(%run_scoped3A : memref<!tpu.dma_semaphore, #tpu.memory_space<semaphore_mem>>) src(%dma_wait3A_130 : memref<128xi32, #tpu.memory_space<hbm>>) dst(%arg7 : memref<128xi32, #tpu.memory_space<vmem>>)
      tpu.yield
    }) : () -> ()
    "tpu.region"() ({
      %run_scoped3A = tpu.sem_alloc : memref<!tpu.dma_semaphore, #tpu.memory_space<semaphore_mem>>
      %dma_start3A_127 = tpu.memref_slice %arg3[%add3A_32] : memref<16384xi32, #tpu.memory_space<hbm>> -> memref<128xi32, #tpu.memory_space<hbm>>
      %dma_start3A_128 = tpu.memref_slice %arg3[%add3A_32] : memref<16384xi32, #tpu.memory_space<hbm>> -> memref<128xi32, #tpu.memory_space<hbm>>
      tpu.enqueue_dma source(%dma_start3A_128 : memref<128xi32, #tpu.memory_space<hbm>>) target(%arg9 : memref<128xi32, #tpu.memory_space<vmem>>) target_semaphore(%run_scoped3A : memref<!tpu.dma_semaphore, #tpu.memory_space<semaphore_mem>>)
      %dma_wait3A_129 = tpu.memref_slice %arg3[%add3A_32] : memref<16384xi32, #tpu.memory_space<hbm>> -> memref<128xi32, #tpu.memory_space<hbm>>
      %dma_wait3A_130 = tpu.memref_slice %arg3[%add3A_32] : memref<16384xi32, #tpu.memory_space<hbm>> -> memref<128xi32, #tpu.memory_space<hbm>>
      tpu.wait_dma2 semaphore(%run_scoped3A : memref<!tpu.dma_semaphore, #tpu.memory_space<semaphore_mem>>) src(%dma_wait3A_130 : memref<128xi32, #tpu.memory_space<hbm>>) dst(%arg9 : memref<128xi32, #tpu.memory_space<vmem>>)
      tpu.yield
    }) : () -> ()
    %dma_wait3A_33 = arith.constant 0 : i32
    %dma_wait3A_34 = tpu.memref_slice %arg6[%add3A_22, %dma_wait3A_33] : memref<16384x256xf32, #tpu.memory_space<hbm>> -> memref<128x128xf32, #tpu.memory_space<hbm>>
    %dma_wait3A_35 = arith.constant 0 : i32
    %dma_wait3A_36 = tpu.memref_slice %arg6[%add3A_22, %dma_wait3A_35] : memref<16384x256xf32, #tpu.memory_space<hbm>> -> memref<128x128xf32, #tpu.memory_space<hbm>>
    tpu.wait_dma2 semaphore(%arg17 : memref<!tpu.dma_semaphore, #tpu.memory_space<semaphore_mem>>) src(%arg11 : memref<128x128xf32, #tpu.memory_space<vmem>>) dst(%dma_wait3A_36 : memref<128x128xf32, #tpu.memory_space<hbm>>)
    %dma_wait3A_37 = arith.constant 128 : i32
    %dma_wait3A_38 = tpu.memref_slice %arg6[%add3A_22, %dma_wait3A_37] : memref<16384x256xf32, #tpu.memory_space<hbm>> -> memref<128x128xf32, #tpu.memory_space<hbm>>
    %dma_wait3A_39 = arith.constant 128 : i32
    %dma_wait3A_40 = tpu.memref_slice %arg6[%add3A_22, %dma_wait3A_39] : memref<16384x256xf32, #tpu.memory_space<hbm>> -> memref<128x128xf32, #tpu.memory_space<hbm>>
    tpu.wait_dma2 semaphore(%arg17 : memref<!tpu.dma_semaphore, #tpu.memory_space<semaphore_mem>>) src(%arg12 : memref<128x128xf32, #tpu.memory_space<vmem>>) dst(%dma_wait3A_40 : memref<128x128xf32, #tpu.memory_space<hbm>>)
    %dma_start3A_41 = arith.constant 0 : i32
    %dma_start3A_42 = arith.constant 0 : i32
    %dma_start3A_43 = tpu.memref_slice %arg4[%dma_start3A_41, %dma_start3A_42] : memref<100000x128xf32, #tpu.memory_space<hbm>> -> memref<100000x128xf32, #tpu.memory_space<hbm>>
    tpu.enqueue_indirect_dma source(%dma_start3A_43 : memref<100000x128xf32, #tpu.memory_space<hbm>>) target(%arg11 : memref<128x128xf32, #tpu.memory_space<vmem>>) offsets(%arg7 : memref<128xi32, #tpu.memory_space<vmem>>) semaphore(%arg15 : memref<!tpu.dma_semaphore, #tpu.memory_space<semaphore_mem>>)
    %dma_start3A_44 = arith.constant 0 : i32
    %dma_start3A_45 = arith.constant 0 : i32
    %dma_start3A_46 = tpu.memref_slice %arg5[%dma_start3A_44, %dma_start3A_45] : memref<100000x128xf32, #tpu.memory_space<hbm>> -> memref<100000x128xf32, #tpu.memory_space<hbm>>
    tpu.enqueue_indirect_dma source(%dma_start3A_46 : memref<100000x128xf32, #tpu.memory_space<hbm>>) target(%arg12 : memref<128x128xf32, #tpu.memory_space<vmem>>) offsets(%arg9 : memref<128xi32, #tpu.memory_space<vmem>>) semaphore(%arg15 : memref<!tpu.dma_semaphore, #tpu.memory_space<semaphore_mem>>)
    %dma_wait3A_47 = arith.constant 0 : i32
    %dma_wait3A_48 = arith.constant 0 : i32
    %dma_wait3A_49 = tpu.memref_slice %arg4[%dma_wait3A_47, %dma_wait3A_48] : memref<100000x128xf32, #tpu.memory_space<hbm>> -> memref<100000x128xf32, #tpu.memory_space<hbm>>
    tpu.wait_indirect_dma semaphore(%arg16 : memref<!tpu.dma_semaphore, #tpu.memory_space<semaphore_mem>>) src(%dma_wait3A_49 : memref<100000x128xf32, #tpu.memory_space<hbm>>) dst(%arg13 : memref<128x128xf32, #tpu.memory_space<vmem>>)
    %dma_wait3A_50 = arith.constant 0 : i32
    %dma_wait3A_51 = arith.constant 0 : i32
    %dma_wait3A_52 = tpu.memref_slice %arg5[%dma_wait3A_50, %dma_wait3A_51] : memref<100000x128xf32, #tpu.memory_space<hbm>> -> memref<100000x128xf32, #tpu.memory_space<hbm>>
    tpu.wait_indirect_dma semaphore(%arg16 : memref<!tpu.dma_semaphore, #tpu.memory_space<semaphore_mem>>) src(%dma_wait3A_52 : memref<100000x128xf32, #tpu.memory_space<hbm>>) dst(%arg14 : memref<128x128xf32, #tpu.memory_space<vmem>>)
    %add3A_53 = arith.constant 128 : i32
    %add3A_54 = arith.addi %mul3A_2, %add3A_53 : i32
    %dma_start3A_55 = arith.constant 0 : i32
    %dma_start3A_56 = tpu.memref_slice %arg6[%add3A_54, %dma_start3A_55] : memref<16384x256xf32, #tpu.memory_space<hbm>> -> memref<128x128xf32, #tpu.memory_space<hbm>>
    %dma_start3A_57 = arith.constant 0 : i32
    %dma_start3A_58 = tpu.memref_slice %arg6[%add3A_54, %dma_start3A_57] : memref<16384x256xf32, #tpu.memory_space<hbm>> -> memref<128x128xf32, #tpu.memory_space<hbm>>
    tpu.enqueue_dma source(%arg13 : memref<128x128xf32, #tpu.memory_space<vmem>>) target(%dma_start3A_58 : memref<128x128xf32, #tpu.memory_space<hbm>>) target_semaphore(%arg18 : memref<!tpu.dma_semaphore, #tpu.memory_space<semaphore_mem>>)
    %dma_start3A_59 = arith.constant 128 : i32
    %dma_start3A_60 = tpu.memref_slice %arg6[%add3A_54, %dma_start3A_59] : memref<16384x256xf32, #tpu.memory_space<hbm>> -> memref<128x128xf32, #tpu.memory_space<hbm>>
    %dma_start3A_61 = arith.constant 128 : i32
    %dma_start3A_62 = tpu.memref_slice %arg6[%add3A_54, %dma_start3A_61] : memref<16384x256xf32, #tpu.memory_space<hbm>> -> memref<128x128xf32, #tpu.memory_space<hbm>>
    tpu.enqueue_dma source(%arg14 : memref<128x128xf32, #tpu.memory_space<vmem>>) target(%dma_start3A_62 : memref<128x128xf32, #tpu.memory_space<hbm>>) target_semaphore(%arg18 : memref<!tpu.dma_semaphore, #tpu.memory_space<semaphore_mem>>)
    %add3A_63 = arith.constant 384 : i32
    %add3A_64 = arith.addi %mul3A_2, %add3A_63 : i32
    "tpu.region"() ({
      %run_scoped3A = tpu.sem_alloc : memref<!tpu.dma_semaphore, #tpu.memory_space<semaphore_mem>>
      %dma_start3A_127 = tpu.memref_slice %arg2[%add3A_64] : memref<16384xi32, #tpu.memory_space<hbm>> -> memref<128xi32, #tpu.memory_space<hbm>>
      %dma_start3A_128 = tpu.memref_slice %arg2[%add3A_64] : memref<16384xi32, #tpu.memory_space<hbm>> -> memref<128xi32, #tpu.memory_space<hbm>>
      tpu.enqueue_dma source(%dma_start3A_128 : memref<128xi32, #tpu.memory_space<hbm>>) target(%arg8 : memref<128xi32, #tpu.memory_space<vmem>>) target_semaphore(%run_scoped3A : memref<!tpu.dma_semaphore, #tpu.memory_space<semaphore_mem>>)
      %dma_wait3A_129 = tpu.memref_slice %arg2[%add3A_64] : memref<16384xi32, #tpu.memory_space<hbm>> -> memref<128xi32, #tpu.memory_space<hbm>>
      %dma_wait3A_130 = tpu.memref_slice %arg2[%add3A_64] : memref<16384xi32, #tpu.memory_space<hbm>> -> memref<128xi32, #tpu.memory_space<hbm>>
      tpu.wait_dma2 semaphore(%run_scoped3A : memref<!tpu.dma_semaphore, #tpu.memory_space<semaphore_mem>>) src(%dma_wait3A_130 : memref<128xi32, #tpu.memory_space<hbm>>) dst(%arg8 : memref<128xi32, #tpu.memory_space<vmem>>)
      tpu.yield
    }) : () -> ()
    "tpu.region"() ({
      %run_scoped3A = tpu.sem_alloc : memref<!tpu.dma_semaphore, #tpu.memory_space<semaphore_mem>>
      %dma_start3A_127 = tpu.memref_slice %arg3[%add3A_64] : memref<16384xi32, #tpu.memory_space<hbm>> -> memref<128xi32, #tpu.memory_space<hbm>>
      %dma_start3A_128 = tpu.memref_slice %arg3[%add3A_64] : memref<16384xi32, #tpu.memory_space<hbm>> -> memref<128xi32, #tpu.memory_space<hbm>>
      tpu.enqueue_dma source(%dma_start3A_128 : memref<128xi32, #tpu.memory_space<hbm>>) target(%arg10 : memref<128xi32, #tpu.memory_space<vmem>>) target_semaphore(%run_scoped3A : memref<!tpu.dma_semaphore, #tpu.memory_space<semaphore_mem>>)
      %dma_wait3A_129 = tpu.memref_slice %arg3[%add3A_64] : memref<16384xi32, #tpu.memory_space<hbm>> -> memref<128xi32, #tpu.memory_space<hbm>>
      %dma_wait3A_130 = tpu.memref_slice %arg3[%add3A_64] : memref<16384xi32, #tpu.memory_space<hbm>> -> memref<128xi32, #tpu.memory_space<hbm>>
      tpu.wait_dma2 semaphore(%run_scoped3A : memref<!tpu.dma_semaphore, #tpu.memory_space<semaphore_mem>>) src(%dma_wait3A_130 : memref<128xi32, #tpu.memory_space<hbm>>) dst(%arg10 : memref<128xi32, #tpu.memory_space<vmem>>)
      tpu.yield
    }) : () -> ()
    %dma_wait3A_65 = arith.constant 0 : i32
    %dma_wait3A_66 = tpu.memref_slice %arg6[%add3A_54, %dma_wait3A_65] : memref<16384x256xf32, #tpu.memory_space<hbm>> -> memref<128x128xf32, #tpu.memory_space<hbm>>
    %dma_wait3A_67 = arith.constant 0 : i32
    %dma_wait3A_68 = tpu.memref_slice %arg6[%add3A_54, %dma_wait3A_67] : memref<16384x256xf32, #tpu.memory_space<hbm>> -> memref<128x128xf32, #tpu.memory_space<hbm>>
    tpu.wait_dma2 semaphore(%arg18 : memref<!tpu.dma_semaphore, #tpu.memory_space<semaphore_mem>>) src(%arg13 : memref<128x128xf32, #tpu.memory_space<vmem>>) dst(%dma_wait3A_68 : memref<128x128xf32, #tpu.memory_space<hbm>>)
    %dma_wait3A_69 = arith.constant 128 : i32
    %dma_wait3A_70 = tpu.memref_slice %arg6[%add3A_54, %dma_wait3A_69] : memref<16384x256xf32, #tpu.memory_space<hbm>> -> memref<128x128xf32, #tpu.memory_space<hbm>>
    %dma_wait3A_71 = arith.constant 128 : i32
    %dma_wait3A_72 = tpu.memref_slice %arg6[%add3A_54, %dma_wait3A_71] : memref<16384x256xf32, #tpu.memory_space<hbm>> -> memref<128x128xf32, #tpu.memory_space<hbm>>
    tpu.wait_dma2 semaphore(%arg18 : memref<!tpu.dma_semaphore, #tpu.memory_space<semaphore_mem>>) src(%arg14 : memref<128x128xf32, #tpu.memory_space<vmem>>) dst(%dma_wait3A_72 : memref<128x128xf32, #tpu.memory_space<hbm>>)
    %dma_start3A_73 = arith.constant 0 : i32
    %dma_start3A_74 = arith.constant 0 : i32
    %dma_start3A_75 = tpu.memref_slice %arg4[%dma_start3A_73, %dma_start3A_74] : memref<100000x128xf32, #tpu.memory_space<hbm>> -> memref<100000x128xf32, #tpu.memory_space<hbm>>
    tpu.enqueue_indirect_dma source(%dma_start3A_75 : memref<100000x128xf32, #tpu.memory_space<hbm>>) target(%arg13 : memref<128x128xf32, #tpu.memory_space<vmem>>) offsets(%arg8 : memref<128xi32, #tpu.memory_space<vmem>>) semaphore(%arg16 : memref<!tpu.dma_semaphore, #tpu.memory_space<semaphore_mem>>)
    %dma_start3A_76 = arith.constant 0 : i32
    %dma_start3A_77 = arith.constant 0 : i32
    %dma_start3A_78 = tpu.memref_slice %arg5[%dma_start3A_76, %dma_start3A_77] : memref<100000x128xf32, #tpu.memory_space<hbm>> -> memref<100000x128xf32, #tpu.memory_space<hbm>>
    tpu.enqueue_indirect_dma source(%dma_start3A_78 : memref<100000x128xf32, #tpu.memory_space<hbm>>) target(%arg14 : memref<128x128xf32, #tpu.memory_space<vmem>>) offsets(%arg10 : memref<128xi32, #tpu.memory_space<vmem>>) semaphore(%arg16 : memref<!tpu.dma_semaphore, #tpu.memory_space<semaphore_mem>>)
    %dma_wait3A_79 = arith.constant 0 : i32
    %dma_wait3A_80 = arith.constant 0 : i32
    %dma_wait3A_81 = tpu.memref_slice %arg4[%dma_wait3A_79, %dma_wait3A_80] : memref<100000x128xf32, #tpu.memory_space<hbm>> -> memref<100000x128xf32, #tpu.memory_space<hbm>>
    tpu.wait_indirect_dma semaphore(%arg15 : memref<!tpu.dma_semaphore, #tpu.memory_space<semaphore_mem>>) src(%dma_wait3A_81 : memref<100000x128xf32, #tpu.memory_space<hbm>>) dst(%arg11 : memref<128x128xf32, #tpu.memory_space<vmem>>)
    %dma_wait3A_82 = arith.constant 0 : i32
    %dma_wait3A_83 = arith.constant 0 : i32
    %dma_wait3A_84 = tpu.memref_slice %arg5[%dma_wait3A_82, %dma_wait3A_83] : memref<100000x128xf32, #tpu.memory_space<hbm>> -> memref<100000x128xf32, #tpu.memory_space<hbm>>
    tpu.wait_indirect_dma semaphore(%arg15 : memref<!tpu.dma_semaphore, #tpu.memory_space<semaphore_mem>>) src(%dma_wait3A_84 : memref<100000x128xf32, #tpu.memory_space<hbm>>) dst(%arg12 : memref<128x128xf32, #tpu.memory_space<vmem>>)
    %add3A_85 = arith.constant 256 : i32
    %add3A_86 = arith.addi %mul3A_2, %add3A_85 : i32
    %dma_start3A_87 = arith.constant 0 : i32
    %dma_start3A_88 = tpu.memref_slice %arg6[%add3A_86, %dma_start3A_87] : memref<16384x256xf32, #tpu.memory_space<hbm>> -> memref<128x128xf32, #tpu.memory_space<hbm>>
    %dma_start3A_89 = arith.constant 0 : i32
    %dma_start3A_90 = tpu.memref_slice %arg6[%add3A_86, %dma_start3A_89] : memref<16384x256xf32, #tpu.memory_space<hbm>> -> memref<128x128xf32, #tpu.memory_space<hbm>>
    tpu.enqueue_dma source(%arg11 : memref<128x128xf32, #tpu.memory_space<vmem>>) target(%dma_start3A_90 : memref<128x128xf32, #tpu.memory_space<hbm>>) target_semaphore(%arg17 : memref<!tpu.dma_semaphore, #tpu.memory_space<semaphore_mem>>)
    %dma_start3A_91 = arith.constant 128 : i32
    %dma_start3A_92 = tpu.memref_slice %arg6[%add3A_86, %dma_start3A_91] : memref<16384x256xf32, #tpu.memory_space<hbm>> -> memref<128x128xf32, #tpu.memory_space<hbm>>
    %dma_start3A_93 = arith.constant 128 : i32
    %dma_start3A_94 = tpu.memref_slice %arg6[%add3A_86, %dma_start3A_93] : memref<16384x256xf32, #tpu.memory_space<hbm>> -> memref<128x128xf32, #tpu.memory_space<hbm>>
    tpu.enqueue_dma source(%arg12 : memref<128x128xf32, #tpu.memory_space<vmem>>) target(%dma_start3A_94 : memref<128x128xf32, #tpu.memory_space<hbm>>) target_semaphore(%arg17 : memref<!tpu.dma_semaphore, #tpu.memory_space<semaphore_mem>>)
    %dma_wait3A_95 = arith.constant 0 : i32
    %dma_wait3A_96 = arith.constant 0 : i32
    %dma_wait3A_97 = tpu.memref_slice %arg4[%dma_wait3A_95, %dma_wait3A_96] : memref<100000x128xf32, #tpu.memory_space<hbm>> -> memref<100000x128xf32, #tpu.memory_space<hbm>>
    tpu.wait_indirect_dma semaphore(%arg16 : memref<!tpu.dma_semaphore, #tpu.memory_space<semaphore_mem>>) src(%dma_wait3A_97 : memref<100000x128xf32, #tpu.memory_space<hbm>>) dst(%arg13 : memref<128x128xf32, #tpu.memory_space<vmem>>)
    %dma_wait3A_98 = arith.constant 0 : i32
    %dma_wait3A_99 = arith.constant 0 : i32
    %dma_wait3A_100 = tpu.memref_slice %arg5[%dma_wait3A_98, %dma_wait3A_99] : memref<100000x128xf32, #tpu.memory_space<hbm>> -> memref<100000x128xf32, #tpu.memory_space<hbm>>
    tpu.wait_indirect_dma semaphore(%arg16 : memref<!tpu.dma_semaphore, #tpu.memory_space<semaphore_mem>>) src(%dma_wait3A_100 : memref<100000x128xf32, #tpu.memory_space<hbm>>) dst(%arg14 : memref<128x128xf32, #tpu.memory_space<vmem>>)
    %add3A_101 = arith.constant 384 : i32
    %add3A_102 = arith.addi %mul3A_2, %add3A_101 : i32
    %dma_start3A_103 = arith.constant 0 : i32
    %dma_start3A_104 = tpu.memref_slice %arg6[%add3A_102, %dma_start3A_103] : memref<16384x256xf32, #tpu.memory_space<hbm>> -> memref<128x128xf32, #tpu.memory_space<hbm>>
    %dma_start3A_105 = arith.constant 0 : i32
    %dma_start3A_106 = tpu.memref_slice %arg6[%add3A_102, %dma_start3A_105] : memref<16384x256xf32, #tpu.memory_space<hbm>> -> memref<128x128xf32, #tpu.memory_space<hbm>>
    tpu.enqueue_dma source(%arg13 : memref<128x128xf32, #tpu.memory_space<vmem>>) target(%dma_start3A_106 : memref<128x128xf32, #tpu.memory_space<hbm>>) target_semaphore(%arg18 : memref<!tpu.dma_semaphore, #tpu.memory_space<semaphore_mem>>)
    %dma_start3A_107 = arith.constant 128 : i32
    %dma_start3A_108 = tpu.memref_slice %arg6[%add3A_102, %dma_start3A_107] : memref<16384x256xf32, #tpu.memory_space<hbm>> -> memref<128x128xf32, #tpu.memory_space<hbm>>
    %dma_start3A_109 = arith.constant 128 : i32
    %dma_start3A_110 = tpu.memref_slice %arg6[%add3A_102, %dma_start3A_109] : memref<16384x256xf32, #tpu.memory_space<hbm>> -> memref<128x128xf32, #tpu.memory_space<hbm>>
    tpu.enqueue_dma source(%arg14 : memref<128x128xf32, #tpu.memory_space<vmem>>) target(%dma_start3A_110 : memref<128x128xf32, #tpu.memory_space<hbm>>) target_semaphore(%arg18 : memref<!tpu.dma_semaphore, #tpu.memory_space<semaphore_mem>>)
    %dma_wait3A_111 = arith.constant 0 : i32
    %dma_wait3A_112 = tpu.memref_slice %arg6[%add3A_86, %dma_wait3A_111] : memref<16384x256xf32, #tpu.memory_space<hbm>> -> memref<128x128xf32, #tpu.memory_space<hbm>>
    %dma_wait3A_113 = arith.constant 0 : i32
    %dma_wait3A_114 = tpu.memref_slice %arg6[%add3A_86, %dma_wait3A_113] : memref<16384x256xf32, #tpu.memory_space<hbm>> -> memref<128x128xf32, #tpu.memory_space<hbm>>
    tpu.wait_dma2 semaphore(%arg17 : memref<!tpu.dma_semaphore, #tpu.memory_space<semaphore_mem>>) src(%arg11 : memref<128x128xf32, #tpu.memory_space<vmem>>) dst(%dma_wait3A_114 : memref<128x128xf32, #tpu.memory_space<hbm>>)
    %dma_wait3A_115 = arith.constant 128 : i32
    %dma_wait3A_116 = tpu.memref_slice %arg6[%add3A_86, %dma_wait3A_115] : memref<16384x256xf32, #tpu.memory_space<hbm>> -> memref<128x128xf32, #tpu.memory_space<hbm>>
    %dma_wait3A_117 = arith.constant 128 : i32
    %dma_wait3A_118 = tpu.memref_slice %arg6[%add3A_86, %dma_wait3A_117] : memref<16384x256xf32, #tpu.memory_space<hbm>> -> memref<128x128xf32, #tpu.memory_space<hbm>>
    tpu.wait_dma2 semaphore(%arg17 : memref<!tpu.dma_semaphore, #tpu.memory_space<semaphore_mem>>) src(%arg12 : memref<128x128xf32, #tpu.memory_space<vmem>>) dst(%dma_wait3A_118 : memref<128x128xf32, #tpu.memory_space<hbm>>)
    %dma_wait3A_119 = arith.constant 0 : i32
    %dma_wait3A_120 = tpu.memref_slice %arg6[%add3A_102, %dma_wait3A_119] : memref<16384x256xf32, #tpu.memory_space<hbm>> -> memref<128x128xf32, #tpu.memory_space<hbm>>
    %dma_wait3A_121 = arith.constant 0 : i32
    %dma_wait3A_122 = tpu.memref_slice %arg6[%add3A_102, %dma_wait3A_121] : memref<16384x256xf32, #tpu.memory_space<hbm>> -> memref<128x128xf32, #tpu.memory_space<hbm>>
    tpu.wait_dma2 semaphore(%arg18 : memref<!tpu.dma_semaphore, #tpu.memory_space<semaphore_mem>>) src(%arg13 : memref<128x128xf32, #tpu.memory_space<vmem>>) dst(%dma_wait3A_122 : memref<128x128xf32, #tpu.memory_space<hbm>>)
    %dma_wait3A_123 = arith.constant 128 : i32
    %dma_wait3A_124 = tpu.memref_slice %arg6[%add3A_102, %dma_wait3A_123] : memref<16384x256xf32, #tpu.memory_space<hbm>> -> memref<128x128xf32, #tpu.memory_space<hbm>>
    %dma_wait3A_125 = arith.constant 128 : i32
    %dma_wait3A_126 = tpu.memref_slice %arg6[%add3A_102, %dma_wait3A_125] : memref<16384x256xf32, #tpu.memory_space<hbm>> -> memref<128x128xf32, #tpu.memory_space<hbm>>
    tpu.wait_dma2 semaphore(%arg18 : memref<!tpu.dma_semaphore, #tpu.memory_space<semaphore_mem>>) src(%arg14 : memref<128x128xf32, #tpu.memory_space<vmem>>) dst(%dma_wait3A_126 : memref<128x128xf32, #tpu.memory_space<hbm>>)
    return
  }
}

#map = affine_map<(d0, d1) -> (0)>
#map1 = affine_map<(d0, d1) -> (0, 0)>
module attributes {stable_mosaic.version = 14 : i64} {
  func.func @gather_k(%arg0: i32, %arg1: i32, %arg2: memref<16384xi32, #tpu.memory_space<hbm>>, %arg3: memref<16384xi32, #tpu.memory_space<hbm>>, %arg4: memref<100000x128xf32, #tpu.memory_space<hbm>>, %arg5: memref<100000x128xf32, #tpu.memory_space<hbm>>, %arg6: memref<16384x256xf32, #tpu.memory_space<hbm>>, %arg7: memref<128xi32, #tpu.memory_space<vmem>>, %arg8: memref<128xi32, #tpu.memory_space<vmem>>, %arg9: memref<128xi32, #tpu.memory_space<vmem>>, %arg10: memref<128xi32, #tpu.memory_space<vmem>>, %arg11: memref<128x128xf32, #tpu.memory_space<vmem>>, %arg12: memref<128x128xf32, #tpu.memory_space<vmem>>, %arg13: memref<128x128xf32, #tpu.memory_space<vmem>>, %arg14: memref<128x128xf32, #tpu.memory_space<vmem>>, %arg15: memref<!tpu.dma_semaphore, #tpu.memory_space<semaphore_mem>>, %arg16: memref<!tpu.dma_semaphore, #tpu.memory_space<semaphore_mem>>, %arg17: memref<!tpu.dma_semaphore, #tpu.memory_space<semaphore_mem>>, %arg18: memref<!tpu.dma_semaphore, #tpu.memory_space<semaphore_mem>>) attributes {dimension_semantics = [#tpu.dimension_semantics<core_parallel>, #tpu.dimension_semantics<subcore_parallel>], iteration_bounds = array<i64: 2, 16>, scalar_prefetch = 0 : i64, scratch_operands = 12 : i64, tpu.core_type = #tpu.core_type<sc_vector_subcore>, window_params = [{transform_indices = #map}, {transform_indices = #map}, {transform_indices = #map1}, {transform_indices = #map1}, {transform_indices = #map1}]} {
    %mul3A = arith.constant 2 : i32
    %mul3A_0 = arith.muli %arg1, %mul3A : i32
    %add3A = arith.addi %mul3A_0, %arg0 : i32
    %mul3A_1 = arith.constant 512 : i32
    %mul3A_2 = arith.muli %add3A, %mul3A_1 : i32
    "tpu.region"() ({
      %run_scoped3A = tpu.sem_alloc : memref<!tpu.dma_semaphore, #tpu.memory_space<semaphore_mem>>
      %dma_start3A_127 = tpu.memref_slice %arg2[%mul3A_2] : memref<16384xi32, #tpu.memory_space<hbm>> -> memref<128xi32, #tpu.memory_space<hbm>>
      %dma_start3A_128 = tpu.memref_slice %arg2[%mul3A_2] : memref<16384xi32, #tpu.memory_space<hbm>> -> memref<128xi32, #tpu.memory_space<hbm>>
      tpu.enqueue_dma source(%dma_start3A_128 : memref<128xi32, #tpu.memory_space<hbm>>) target(%arg7 : memref<128xi32, #tpu.memory_space<vmem>>) target_semaphore(%run_scoped3A : memref<!tpu.dma_semaphore, #tpu.memory_space<semaphore_mem>>)
      %dma_wait3A_129 = tpu.memref_slice %arg2[%mul3A_2] : memref<16384xi32, #tpu.memory_space<hbm>> -> memref<128xi32, #tpu.memory_space<hbm>>
      %dma_wait3A_130 = tpu.memref_slice %arg2[%mul3A_2] : memref<16384xi32, #tpu.memory_space<hbm>> -> memref<128xi32, #tpu.memory_space<hbm>>
      tpu.wait_dma2 semaphore(%run_scoped3A : memref<!tpu.dma_semaphore, #tpu.memory_space<semaphore_mem>>) src(%dma_wait3A_130 : memref<128xi32, #tpu.memory_space<hbm>>) dst(%arg7 : memref<128xi32, #tpu.memory_space<vmem>>)
      tpu.yield
    }) : () -> ()
    "tpu.region"() ({
      %run_scoped3A = tpu.sem_alloc : memref<!tpu.dma_semaphore, #tpu.memory_space<semaphore_mem>>
      %dma_start3A_127 = tpu.memref_slice %arg3[%mul3A_2] : memref<16384xi32, #tpu.memory_space<hbm>> -> memref<128xi32, #tpu.memory_space<hbm>>
      %dma_start3A_128 = tpu.memref_slice %arg3[%mul3A_2] : memref<16384xi32, #tpu.memory_space<hbm>> -> memref<128xi32, #tpu.memory_space<hbm>>
      tpu.enqueue_dma source(%dma_start3A_128 : memref<128xi32, #tpu.memory_space<hbm>>) target(%arg9 : memref<128xi32, #tpu.memory_space<vmem>>) target_semaphore(%run_scoped3A : memref<!tpu.dma_semaphore, #tpu.memory_space<semaphore_mem>>)
      %dma_wait3A_129 = tpu.memref_slice %arg3[%mul3A_2] : memref<16384xi32, #tpu.memory_space<hbm>> -> memref<128xi32, #tpu.memory_space<hbm>>
      %dma_wait3A_130 = tpu.memref_slice %arg3[%mul3A_2] : memref<16384xi32, #tpu.memory_space<hbm>> -> memref<128xi32, #tpu.memory_space<hbm>>
      tpu.wait_dma2 semaphore(%run_scoped3A : memref<!tpu.dma_semaphore, #tpu.memory_space<semaphore_mem>>) src(%dma_wait3A_130 : memref<128xi32, #tpu.memory_space<hbm>>) dst(%arg9 : memref<128xi32, #tpu.memory_space<vmem>>)
      tpu.yield
    }) : () -> ()
    %dma_start3A = arith.constant 0 : i32
    %dma_start3A_3 = arith.constant 0 : i32
    %dma_start3A_4 = tpu.memref_slice %arg4[%dma_start3A, %dma_start3A_3] : memref<100000x128xf32, #tpu.memory_space<hbm>> -> memref<100000x128xf32, #tpu.memory_space<hbm>>
    tpu.enqueue_indirect_dma source(%dma_start3A_4 : memref<100000x128xf32, #tpu.memory_space<hbm>>) target(%arg11 : memref<128x128xf32, #tpu.memory_space<vmem>>) offsets(%arg7 : memref<128xi32, #tpu.memory_space<vmem>>) semaphore(%arg15 : memref<!tpu.dma_semaphore, #tpu.memory_space<semaphore_mem>>)
    %dma_start3A_5 = arith.constant 0 : i32
    %dma_start3A_6 = arith.constant 0 : i32
    %dma_start3A_7 = tpu.memref_slice %arg5[%dma_start3A_5, %dma_start3A_6] : memref<100000x128xf32, #tpu.memory_space<hbm>> -> memref<100000x128xf32, #tpu.memory_space<hbm>>
    tpu.enqueue_indirect_dma source(%dma_start3A_7 : memref<100000x128xf32, #tpu.memory_space<hbm>>) target(%arg12 : memref<128x128xf32, #tpu.memory_space<vmem>>) offsets(%arg9 : memref<128xi32, #tpu.memory_space<vmem>>) semaphore(%arg15 : memref<!tpu.dma_semaphore, #tpu.memory_space<semaphore_mem>>)
    %add3A_8 = arith.constant 128 : i32
    %add3A_9 = arith.addi %mul3A_2, %add3A_8 : i32
    "tpu.region"() ({
      %run_scoped3A = tpu.sem_alloc : memref<!tpu.dma_semaphore, #tpu.memory_space<semaphore_mem>>
      %dma_start3A_127 = tpu.memref_slice %arg2[%add3A_9] : memref<16384xi32, #tpu.memory_space<hbm>> -> memref<128xi32, #tpu.memory_space<hbm>>
      %dma_start3A_128 = tpu.memref_slice %arg2[%add3A_9] : memref<16384xi32, #tpu.memory_space<hbm>> -> memref<128xi32, #tpu.memory_space<hbm>>
      tpu.enqueue_dma source(%dma_start3A_128 : memref<128xi32, #tpu.memory_space<hbm>>) target(%arg8 : memref<128xi32, #tpu.memory_space<vmem>>) target_semaphore(%run_scoped3A : memref<!tpu.dma_semaphore, #tpu.memory_space<semaphore_mem>>)
      %dma_wait3A_129 = tpu.memref_slice %arg2[%add3A_9] : memref<16384xi32, #tpu.memory_space<hbm>> -> memref<128xi32, #tpu.memory_space<hbm>>
      %dma_wait3A_130 = tpu.memref_slice %arg2[%add3A_9] : memref<16384xi32, #tpu.memory_space<hbm>> -> memref<128xi32, #tpu.memory_space<hbm>>
      tpu.wait_dma2 semaphore(%run_scoped3A : memref<!tpu.dma_semaphore, #tpu.memory_space<semaphore_mem>>) src(%dma_wait3A_130 : memref<128xi32, #tpu.memory_space<hbm>>) dst(%arg8 : memref<128xi32, #tpu.memory_space<vmem>>)
      tpu.yield
    }) : () -> ()
    "tpu.region"() ({
      %run_scoped3A = tpu.sem_alloc : memref<!tpu.dma_semaphore, #tpu.memory_space<semaphore_mem>>
      %dma_start3A_127 = tpu.memref_slice %arg3[%add3A_9] : memref<16384xi32, #tpu.memory_space<hbm>> -> memref<128xi32, #tpu.memory_space<hbm>>
      %dma_start3A_128 = tpu.memref_slice %arg3[%add3A_9] : memref<16384xi32, #tpu.memory_space<hbm>> -> memref<128xi32, #tpu.memory_space<hbm>>
      tpu.enqueue_dma source(%dma_start3A_128 : memref<128xi32, #tpu.memory_space<hbm>>) target(%arg10 : memref<128xi32, #tpu.memory_space<vmem>>) target_semaphore(%run_scoped3A : memref<!tpu.dma_semaphore, #tpu.memory_space<semaphore_mem>>)
      %dma_wait3A_129 = tpu.memref_slice %arg3[%add3A_9] : memref<16384xi32, #tpu.memory_space<hbm>> -> memref<128xi32, #tpu.memory_space<hbm>>
      %dma_wait3A_130 = tpu.memref_slice %arg3[%add3A_9] : memref<16384xi32, #tpu.memory_space<hbm>> -> memref<128xi32, #tpu.memory_space<hbm>>
      tpu.wait_dma2 semaphore(%run_scoped3A : memref<!tpu.dma_semaphore, #tpu.memory_space<semaphore_mem>>) src(%dma_wait3A_130 : memref<128xi32, #tpu.memory_space<hbm>>) dst(%arg10 : memref<128xi32, #tpu.memory_space<vmem>>)
      tpu.yield
    }) : () -> ()
    %dma_start3A_10 = arith.constant 0 : i32
    %dma_start3A_11 = arith.constant 0 : i32
    %dma_start3A_12 = tpu.memref_slice %arg4[%dma_start3A_10, %dma_start3A_11] : memref<100000x128xf32, #tpu.memory_space<hbm>> -> memref<100000x128xf32, #tpu.memory_space<hbm>>
    tpu.enqueue_indirect_dma source(%dma_start3A_12 : memref<100000x128xf32, #tpu.memory_space<hbm>>) target(%arg13 : memref<128x128xf32, #tpu.memory_space<vmem>>) offsets(%arg8 : memref<128xi32, #tpu.memory_space<vmem>>) semaphore(%arg16 : memref<!tpu.dma_semaphore, #tpu.memory_space<semaphore_mem>>)
    %dma_start3A_13 = arith.constant 0 : i32
    %dma_start3A_14 = arith.constant 0 : i32
    %dma_start3A_15 = tpu.memref_slice %arg5[%dma_start3A_13, %dma_start3A_14] : memref<100000x128xf32, #tpu.memory_space<hbm>> -> memref<100000x128xf32, #tpu.memory_space<hbm>>
    tpu.enqueue_indirect_dma source(%dma_start3A_15 : memref<100000x128xf32, #tpu.memory_space<hbm>>) target(%arg14 : memref<128x128xf32, #tpu.memory_space<vmem>>) offsets(%arg10 : memref<128xi32, #tpu.memory_space<vmem>>) semaphore(%arg16 : memref<!tpu.dma_semaphore, #tpu.memory_space<semaphore_mem>>)
    %dma_wait3A = arith.constant 0 : i32
    %dma_wait3A_16 = arith.constant 0 : i32
    %dma_wait3A_17 = tpu.memref_slice %arg4[%dma_wait3A, %dma_wait3A_16] : memref<100000x128xf32, #tpu.memory_space<hbm>> -> memref<100000x128xf32, #tpu.memory_space<hbm>>
    tpu.wait_indirect_dma semaphore(%arg15 : memref<!tpu.dma_semaphore, #tpu.memory_space<semaphore_mem>>) src(%dma_wait3A_17 : memref<100000x128xf32, #tpu.memory_space<hbm>>) dst(%arg11 : memref<128x128xf32, #tpu.memory_space<vmem>>)
    %dma_wait3A_18 = arith.constant 0 : i32
    %dma_wait3A_19 = arith.constant 0 : i32
    %dma_wait3A_20 = tpu.memref_slice %arg5[%dma_wait3A_18, %dma_wait3A_19] : memref<100000x128xf32, #tpu.memory_space<hbm>> -> memref<100000x128xf32, #tpu.memory_space<hbm>>
    tpu.wait_indirect_dma semaphore(%arg15 : memref<!tpu.dma_semaphore, #tpu.memory_space<semaphore_mem>>) src(%dma_wait3A_20 : memref<100000x128xf32, #tpu.memory_space<hbm>>) dst(%arg12 : memref<128x128xf32, #tpu.memory_space<vmem>>)
    %add3A_21 = arith.constant 0 : i32
    %add3A_22 = arith.addi %mul3A_2, %add3A_21 : i32
    %dma_start3A_23 = arith.constant 0 : i32
    %dma_start3A_24 = tpu.memref_slice %arg6[%add3A_22, %dma_start3A_23] : memref<16384x256xf32, #tpu.memory_space<hbm>> -> memref<128x128xf32, #tpu.memory_space<hbm>>
    %dma_start3A_25 = arith.constant 0 : i32
    %dma_start3A_26 = tpu.memref_slice %arg6[%add3A_22, %dma_start3A_25] : memref<16384x256xf32, #tpu.memory_space<hbm>> -> memref<128x128xf32, #tpu.memory_space<hbm>>
    tpu.enqueue_dma source(%arg11 : memref<128x128xf32, #tpu.memory_space<vmem>>) target(%dma_start3A_26 : memref<128x128xf32, #tpu.memory_space<hbm>>) target_semaphore(%arg17 : memref<!tpu.dma_semaphore, #tpu.memory_space<semaphore_mem>>)
    %dma_start3A_27 = arith.constant 128 : i32
    %dma_start3A_28 = tpu.memref_slice %arg6[%add3A_22, %dma_start3A_27] : memref<16384x256xf32, #tpu.memory_space<hbm>> -> memref<128x128xf32, #tpu.memory_space<hbm>>
    %dma_start3A_29 = arith.constant 128 : i32
    %dma_start3A_30 = tpu.memref_slice %arg6[%add3A_22, %dma_start3A_29] : memref<16384x256xf32, #tpu.memory_space<hbm>> -> memref<128x128xf32, #tpu.memory_space<hbm>>
    tpu.enqueue_dma source(%arg12 : memref<128x128xf32, #tpu.memory_space<vmem>>) target(%dma_start3A_30 : memref<128x128xf32, #tpu.memory_space<hbm>>) target_semaphore(%arg17 : memref<!tpu.dma_semaphore, #tpu.memory_space<semaphore_mem>>)
    %add3A_31 = arith.constant 256 : i32
    %add3A_32 = arith.addi %mul3A_2, %add3A_31 : i32
    "tpu.region"() ({
      %run_scoped3A = tpu.sem_alloc : memref<!tpu.dma_semaphore, #tpu.memory_space<semaphore_mem>>
      %dma_start3A_127 = tpu.memref_slice %arg2[%add3A_32] : memref<16384xi32, #tpu.memory_space<hbm>> -> memref<128xi32, #tpu.memory_space<hbm>>
      %dma_start3A_128 = tpu.memref_slice %arg2[%add3A_32] : memref<16384xi32, #tpu.memory_space<hbm>> -> memref<128xi32, #tpu.memory_space<hbm>>
      tpu.enqueue_dma source(%dma_start3A_128 : memref<128xi32, #tpu.memory_space<hbm>>) target(%arg7 : memref<128xi32, #tpu.memory_space<vmem>>) target_semaphore(%run_scoped3A : memref<!tpu.dma_semaphore, #tpu.memory_space<semaphore_mem>>)
      %dma_wait3A_129 = tpu.memref_slice %arg2[%add3A_32] : memref<16384xi32, #tpu.memory_space<hbm>> -> memref<128xi32, #tpu.memory_space<hbm>>
      %dma_wait3A_130 = tpu.memref_slice %arg2[%add3A_32] : memref<16384xi32, #tpu.memory_space<hbm>> -> memref<128xi32, #tpu.memory_space<hbm>>
      tpu.wait_dma2 semaphore(%run_scoped3A : memref<!tpu.dma_semaphore, #tpu.memory_space<semaphore_mem>>) src(%dma_wait3A_130 : memref<128xi32, #tpu.memory_space<hbm>>) dst(%arg7 : memref<128xi32, #tpu.memory_space<vmem>>)
      tpu.yield
    }) : () -> ()
    "tpu.region"() ({
      %run_scoped3A = tpu.sem_alloc : memref<!tpu.dma_semaphore, #tpu.memory_space<semaphore_mem>>
      %dma_start3A_127 = tpu.memref_slice %arg3[%add3A_32] : memref<16384xi32, #tpu.memory_space<hbm>> -> memref<128xi32, #tpu.memory_space<hbm>>
      %dma_start3A_128 = tpu.memref_slice %arg3[%add3A_32] : memref<16384xi32, #tpu.memory_space<hbm>> -> memref<128xi32, #tpu.memory_space<hbm>>
      tpu.enqueue_dma source(%dma_start3A_128 : memref<128xi32, #tpu.memory_space<hbm>>) target(%arg9 : memref<128xi32, #tpu.memory_space<vmem>>) target_semaphore(%run_scoped3A : memref<!tpu.dma_semaphore, #tpu.memory_space<semaphore_mem>>)
      %dma_wait3A_129 = tpu.memref_slice %arg3[%add3A_32] : memref<16384xi32, #tpu.memory_space<hbm>> -> memref<128xi32, #tpu.memory_space<hbm>>
      %dma_wait3A_130 = tpu.memref_slice %arg3[%add3A_32] : memref<16384xi32, #tpu.memory_space<hbm>> -> memref<128xi32, #tpu.memory_space<hbm>>
      tpu.wait_dma2 semaphore(%run_scoped3A : memref<!tpu.dma_semaphore, #tpu.memory_space<semaphore_mem>>) src(%dma_wait3A_130 : memref<128xi32, #tpu.memory_space<hbm>>) dst(%arg9 : memref<128xi32, #tpu.memory_space<vmem>>)
      tpu.yield
    }) : () -> ()
    %dma_wait3A_33 = arith.constant 0 : i32
    %dma_wait3A_34 = tpu.memref_slice %arg6[%add3A_22, %dma_wait3A_33] : memref<16384x256xf32, #tpu.memory_space<hbm>> -> memref<128x128xf32, #tpu.memory_space<hbm>>
    %dma_wait3A_35 = arith.constant 0 : i32
    %dma_wait3A_36 = tpu.memref_slice %arg6[%add3A_22, %dma_wait3A_35] : memref<16384x256xf32, #tpu.memory_space<hbm>> -> memref<128x128xf32, #tpu.memory_space<hbm>>
    tpu.wait_dma2 semaphore(%arg17 : memref<!tpu.dma_semaphore, #tpu.memory_space<semaphore_mem>>) src(%arg11 : memref<128x128xf32, #tpu.memory_space<vmem>>) dst(%dma_wait3A_36 : memref<128x128xf32, #tpu.memory_space<hbm>>)
    %dma_wait3A_37 = arith.constant 128 : i32
    %dma_wait3A_38 = tpu.memref_slice %arg6[%add3A_22, %dma_wait3A_37] : memref<16384x256xf32, #tpu.memory_space<hbm>> -> memref<128x128xf32, #tpu.memory_space<hbm>>
    %dma_wait3A_39 = arith.constant 128 : i32
    %dma_wait3A_40 = tpu.memref_slice %arg6[%add3A_22, %dma_wait3A_39] : memref<16384x256xf32, #tpu.memory_space<hbm>> -> memref<128x128xf32, #tpu.memory_space<hbm>>
    tpu.wait_dma2 semaphore(%arg17 : memref<!tpu.dma_semaphore, #tpu.memory_space<semaphore_mem>>) src(%arg12 : memref<128x128xf32, #tpu.memory_space<vmem>>) dst(%dma_wait3A_40 : memref<128x128xf32, #tpu.memory_space<hbm>>)
    %dma_start3A_41 = arith.constant 0 : i32
    %dma_start3A_42 = arith.constant 0 : i32
    %dma_start3A_43 = tpu.memref_slice %arg4[%dma_start3A_41, %dma_start3A_42] : memref<100000x128xf32, #tpu.memory_space<hbm>> -> memref<100000x128xf32, #tpu.memory_space<hbm>>
    tpu.enqueue_indirect_dma source(%dma_start3A_43 : memref<100000x128xf32, #tpu.memory_space<hbm>>) target(%arg11 : memref<128x128xf32, #tpu.memory_space<vmem>>) offsets(%arg7 : memref<128xi32, #tpu.memory_space<vmem>>) semaphore(%arg15 : memref<!tpu.dma_semaphore, #tpu.memory_space<semaphore_mem>>)
    %dma_start3A_44 = arith.constant 0 : i32
    %dma_start3A_45 = arith.constant 0 : i32
    %dma_start3A_46 = tpu.memref_slice %arg5[%dma_start3A_44, %dma_start3A_45] : memref<100000x128xf32, #tpu.memory_space<hbm>> -> memref<100000x128xf32, #tpu.memory_space<hbm>>
    tpu.enqueue_indirect_dma source(%dma_start3A_46 : memref<100000x128xf32, #tpu.memory_space<hbm>>) target(%arg12 : memref<128x128xf32, #tpu.memory_space<vmem>>) offsets(%arg9 : memref<128xi32, #tpu.memory_space<vmem>>) semaphore(%arg15 : memref<!tpu.dma_semaphore, #tpu.memory_space<semaphore_mem>>)
    %dma_wait3A_47 = arith.constant 0 : i32
    %dma_wait3A_48 = arith.constant 0 : i32
    %dma_wait3A_49 = tpu.memref_slice %arg4[%dma_wait3A_47, %dma_wait3A_48] : memref<100000x128xf32, #tpu.memory_space<hbm>> -> memref<100000x128xf32, #tpu.memory_space<hbm>>
    tpu.wait_indirect_dma semaphore(%arg16 : memref<!tpu.dma_semaphore, #tpu.memory_space<semaphore_mem>>) src(%dma_wait3A_49 : memref<100000x128xf32, #tpu.memory_space<hbm>>) dst(%arg13 : memref<128x128xf32, #tpu.memory_space<vmem>>)
    %dma_wait3A_50 = arith.constant 0 : i32
    %dma_wait3A_51 = arith.constant 0 : i32
    %dma_wait3A_52 = tpu.memref_slice %arg5[%dma_wait3A_50, %dma_wait3A_51] : memref<100000x128xf32, #tpu.memory_space<hbm>> -> memref<100000x128xf32, #tpu.memory_space<hbm>>
    tpu.wait_indirect_dma semaphore(%arg16 : memref<!tpu.dma_semaphore, #tpu.memory_space<semaphore_mem>>) src(%dma_wait3A_52 : memref<100000x128xf32, #tpu.memory_space<hbm>>) dst(%arg14 : memref<128x128xf32, #tpu.memory_space<vmem>>)
    %add3A_53 = arith.constant 128 : i32
    %add3A_54 = arith.addi %mul3A_2, %add3A_53 : i32
    %dma_start3A_55 = arith.constant 0 : i32
    %dma_start3A_56 = tpu.memref_slice %arg6[%add3A_54, %dma_start3A_55] : memref<16384x256xf32, #tpu.memory_space<hbm>> -> memref<128x128xf32, #tpu.memory_space<hbm>>
    %dma_start3A_57 = arith.constant 0 : i32
    %dma_start3A_58 = tpu.memref_slice %arg6[%add3A_54, %dma_start3A_57] : memref<16384x256xf32, #tpu.memory_space<hbm>> -> memref<128x128xf32, #tpu.memory_space<hbm>>
    tpu.enqueue_dma source(%arg13 : memref<128x128xf32, #tpu.memory_space<vmem>>) target(%dma_start3A_58 : memref<128x128xf32, #tpu.memory_space<hbm>>) target_semaphore(%arg18 : memref<!tpu.dma_semaphore, #tpu.memory_space<semaphore_mem>>)
    %dma_start3A_59 = arith.constant 128 : i32
    %dma_start3A_60 = tpu.memref_slice %arg6[%add3A_54, %dma_start3A_59] : memref<16384x256xf32, #tpu.memory_space<hbm>> -> memref<128x128xf32, #tpu.memory_space<hbm>>
    %dma_start3A_61 = arith.constant 128 : i32
    %dma_start3A_62 = tpu.memref_slice %arg6[%add3A_54, %dma_start3A_61] : memref<16384x256xf32, #tpu.memory_space<hbm>> -> memref<128x128xf32, #tpu.memory_space<hbm>>
    tpu.enqueue_dma source(%arg14 : memref<128x128xf32, #tpu.memory_space<vmem>>) target(%dma_start3A_62 : memref<128x128xf32, #tpu.memory_space<hbm>>) target_semaphore(%arg18 : memref<!tpu.dma_semaphore, #tpu.memory_space<semaphore_mem>>)
    %add3A_63 = arith.constant 384 : i32
    %add3A_64 = arith.addi %mul3A_2, %add3A_63 : i32
    "tpu.region"() ({
      %run_scoped3A = tpu.sem_alloc : memref<!tpu.dma_semaphore, #tpu.memory_space<semaphore_mem>>
      %dma_start3A_127 = tpu.memref_slice %arg2[%add3A_64] : memref<16384xi32, #tpu.memory_space<hbm>> -> memref<128xi32, #tpu.memory_space<hbm>>
      %dma_start3A_128 = tpu.memref_slice %arg2[%add3A_64] : memref<16384xi32, #tpu.memory_space<hbm>> -> memref<128xi32, #tpu.memory_space<hbm>>
      tpu.enqueue_dma source(%dma_start3A_128 : memref<128xi32, #tpu.memory_space<hbm>>) target(%arg8 : memref<128xi32, #tpu.memory_space<vmem>>) target_semaphore(%run_scoped3A : memref<!tpu.dma_semaphore, #tpu.memory_space<semaphore_mem>>)
      %dma_wait3A_129 = tpu.memref_slice %arg2[%add3A_64] : memref<16384xi32, #tpu.memory_space<hbm>> -> memref<128xi32, #tpu.memory_space<hbm>>
      %dma_wait3A_130 = tpu.memref_slice %arg2[%add3A_64] : memref<16384xi32, #tpu.memory_space<hbm>> -> memref<128xi32, #tpu.memory_space<hbm>>
      tpu.wait_dma2 semaphore(%run_scoped3A : memref<!tpu.dma_semaphore, #tpu.memory_space<semaphore_mem>>) src(%dma_wait3A_130 : memref<128xi32, #tpu.memory_space<hbm>>) dst(%arg8 : memref<128xi32, #tpu.memory_space<vmem>>)
      tpu.yield
    }) : () -> ()
    "tpu.region"() ({
      %run_scoped3A = tpu.sem_alloc : memref<!tpu.dma_semaphore, #tpu.memory_space<semaphore_mem>>
      %dma_start3A_127 = tpu.memref_slice %arg3[%add3A_64] : memref<16384xi32, #tpu.memory_space<hbm>> -> memref<128xi32, #tpu.memory_space<hbm>>
      %dma_start3A_128 = tpu.memref_slice %arg3[%add3A_64] : memref<16384xi32, #tpu.memory_space<hbm>> -> memref<128xi32, #tpu.memory_space<hbm>>
      tpu.enqueue_dma source(%dma_start3A_128 : memref<128xi32, #tpu.memory_space<hbm>>) target(%arg10 : memref<128xi32, #tpu.memory_space<vmem>>) target_semaphore(%run_scoped3A : memref<!tpu.dma_semaphore, #tpu.memory_space<semaphore_mem>>)
      %dma_wait3A_129 = tpu.memref_slice %arg3[%add3A_64] : memref<16384xi32, #tpu.memory_space<hbm>> -> memref<128xi32, #tpu.memory_space<hbm>>
      %dma_wait3A_130 = tpu.memref_slice %arg3[%add3A_64] : memref<16384xi32, #tpu.memory_space<hbm>> -> memref<128xi32, #tpu.memory_space<hbm>>
      tpu.wait_dma2 semaphore(%run_scoped3A : memref<!tpu.dma_semaphore, #tpu.memory_space<semaphore_mem>>) src(%dma_wait3A_130 : memref<128xi32, #tpu.memory_space<hbm>>) dst(%arg10 : memref<128xi32, #tpu.memory_space<vmem>>)
      tpu.yield
    }) : () -> ()
    %dma_wait3A_65 = arith.constant 0 : i32
    %dma_wait3A_66 = tpu.memref_slice %arg6[%add3A_54, %dma_wait3A_65] : memref<16384x256xf32, #tpu.memory_space<hbm>> -> memref<128x128xf32, #tpu.memory_space<hbm>>
    %dma_wait3A_67 = arith.constant 0 : i32
    %dma_wait3A_68 = tpu.memref_slice %arg6[%add3A_54, %dma_wait3A_67] : memref<16384x256xf32, #tpu.memory_space<hbm>> -> memref<128x128xf32, #tpu.memory_space<hbm>>
    tpu.wait_dma2 semaphore(%arg18 : memref<!tpu.dma_semaphore, #tpu.memory_space<semaphore_mem>>) src(%arg13 : memref<128x128xf32, #tpu.memory_space<vmem>>) dst(%dma_wait3A_68 : memref<128x128xf32, #tpu.memory_space<hbm>>)
    %dma_wait3A_69 = arith.constant 128 : i32
    %dma_wait3A_70 = tpu.memref_slice %arg6[%add3A_54, %dma_wait3A_69] : memref<16384x256xf32, #tpu.memory_space<hbm>> -> memref<128x128xf32, #tpu.memory_space<hbm>>
    %dma_wait3A_71 = arith.constant 128 : i32
    %dma_wait3A_72 = tpu.memref_slice %arg6[%add3A_54, %dma_wait3A_71] : memref<16384x256xf32, #tpu.memory_space<hbm>> -> memref<128x128xf32, #tpu.memory_space<hbm>>
    tpu.wait_dma2 semaphore(%arg18 : memref<!tpu.dma_semaphore, #tpu.memory_space<semaphore_mem>>) src(%arg14 : memref<128x128xf32, #tpu.memory_space<vmem>>) dst(%dma_wait3A_72 : memref<128x128xf32, #tpu.memory_space<hbm>>)
    %dma_start3A_73 = arith.constant 0 : i32
    %dma_start3A_74 = arith.constant 0 : i32
    %dma_start3A_75 = tpu.memref_slice %arg4[%dma_start3A_73, %dma_start3A_74] : memref<100000x128xf32, #tpu.memory_space<hbm>> -> memref<100000x128xf32, #tpu.memory_space<hbm>>
    tpu.enqueue_indirect_dma source(%dma_start3A_75 : memref<100000x128xf32, #tpu.memory_space<hbm>>) target(%arg13 : memref<128x128xf32, #tpu.memory_space<vmem>>) offsets(%arg8 : memref<128xi32, #tpu.memory_space<vmem>>) semaphore(%arg16 : memref<!tpu.dma_semaphore, #tpu.memory_space<semaphore_mem>>)
    %dma_start3A_76 = arith.constant 0 : i32
    %dma_start3A_77 = arith.constant 0 : i32
    %dma_start3A_78 = tpu.memref_slice %arg5[%dma_start3A_76, %dma_start3A_77] : memref<100000x128xf32, #tpu.memory_space<hbm>> -> memref<100000x128xf32, #tpu.memory_space<hbm>>
    tpu.enqueue_indirect_dma source(%dma_start3A_78 : memref<100000x128xf32, #tpu.memory_space<hbm>>) target(%arg14 : memref<128x128xf32, #tpu.memory_space<vmem>>) offsets(%arg10 : memref<128xi32, #tpu.memory_space<vmem>>) semaphore(%arg16 : memref<!tpu.dma_semaphore, #tpu.memory_space<semaphore_mem>>)
    %dma_wait3A_79 = arith.constant 0 : i32
    %dma_wait3A_80 = arith.constant 0 : i32
    %dma_wait3A_81 = tpu.memref_slice %arg4[%dma_wait3A_79, %dma_wait3A_80] : memref<100000x128xf32, #tpu.memory_space<hbm>> -> memref<100000x128xf32, #tpu.memory_space<hbm>>
    tpu.wait_indirect_dma semaphore(%arg15 : memref<!tpu.dma_semaphore, #tpu.memory_space<semaphore_mem>>) src(%dma_wait3A_81 : memref<100000x128xf32, #tpu.memory_space<hbm>>) dst(%arg11 : memref<128x128xf32, #tpu.memory_space<vmem>>)
    %dma_wait3A_82 = arith.constant 0 : i32
    %dma_wait3A_83 = arith.constant 0 : i32
    %dma_wait3A_84 = tpu.memref_slice %arg5[%dma_wait3A_82, %dma_wait3A_83] : memref<100000x128xf32, #tpu.memory_space<hbm>> -> memref<100000x128xf32, #tpu.memory_space<hbm>>
    tpu.wait_indirect_dma semaphore(%arg15 : memref<!tpu.dma_semaphore, #tpu.memory_space<semaphore_mem>>) src(%dma_wait3A_84 : memref<100000x128xf32, #tpu.memory_space<hbm>>) dst(%arg12 : memref<128x128xf32, #tpu.memory_space<vmem>>)
    %add3A_85 = arith.constant 256 : i32
    %add3A_86 = arith.addi %mul3A_2, %add3A_85 : i32
    %dma_start3A_87 = arith.constant 0 : i32
    %dma_start3A_88 = tpu.memref_slice %arg6[%add3A_86, %dma_start3A_87] : memref<16384x256xf32, #tpu.memory_space<hbm>> -> memref<128x128xf32, #tpu.memory_space<hbm>>
    %dma_start3A_89 = arith.constant 0 : i32
    %dma_start3A_90 = tpu.memref_slice %arg6[%add3A_86, %dma_start3A_89] : memref<16384x256xf32, #tpu.memory_space<hbm>> -> memref<128x128xf32, #tpu.memory_space<hbm>>
    tpu.enqueue_dma source(%arg11 : memref<128x128xf32, #tpu.memory_space<vmem>>) target(%dma_start3A_90 : memref<128x128xf32, #tpu.memory_space<hbm>>) target_semaphore(%arg17 : memref<!tpu.dma_semaphore, #tpu.memory_space<semaphore_mem>>)
    %dma_start3A_91 = arith.constant 128 : i32
    %dma_start3A_92 = tpu.memref_slice %arg6[%add3A_86, %dma_start3A_91] : memref<16384x256xf32, #tpu.memory_space<hbm>> -> memref<128x128xf32, #tpu.memory_space<hbm>>
    %dma_start3A_93 = arith.constant 128 : i32
    %dma_start3A_94 = tpu.memref_slice %arg6[%add3A_86, %dma_start3A_93] : memref<16384x256xf32, #tpu.memory_space<hbm>> -> memref<128x128xf32, #tpu.memory_space<hbm>>
    tpu.enqueue_dma source(%arg12 : memref<128x128xf32, #tpu.memory_space<vmem>>) target(%dma_start3A_94 : memref<128x128xf32, #tpu.memory_space<hbm>>) target_semaphore(%arg17 : memref<!tpu.dma_semaphore, #tpu.memory_space<semaphore_mem>>)
    %dma_wait3A_95 = arith.constant 0 : i32
    %dma_wait3A_96 = arith.constant 0 : i32
    %dma_wait3A_97 = tpu.memref_slice %arg4[%dma_wait3A_95, %dma_wait3A_96] : memref<100000x128xf32, #tpu.memory_space<hbm>> -> memref<100000x128xf32, #tpu.memory_space<hbm>>
    tpu.wait_indirect_dma semaphore(%arg16 : memref<!tpu.dma_semaphore, #tpu.memory_space<semaphore_mem>>) src(%dma_wait3A_97 : memref<100000x128xf32, #tpu.memory_space<hbm>>) dst(%arg13 : memref<128x128xf32, #tpu.memory_space<vmem>>)
    %dma_wait3A_98 = arith.constant 0 : i32
    %dma_wait3A_99 = arith.constant 0 : i32
    %dma_wait3A_100 = tpu.memref_slice %arg5[%dma_wait3A_98, %dma_wait3A_99] : memref<100000x128xf32, #tpu.memory_space<hbm>> -> memref<100000x128xf32, #tpu.memory_space<hbm>>
    tpu.wait_indirect_dma semaphore(%arg16 : memref<!tpu.dma_semaphore, #tpu.memory_space<semaphore_mem>>) src(%dma_wait3A_100 : memref<100000x128xf32, #tpu.memory_space<hbm>>) dst(%arg14 : memref<128x128xf32, #tpu.memory_space<vmem>>)
    %add3A_101 = arith.constant 384 : i32
    %add3A_102 = arith.addi %mul3A_2, %add3A_101 : i32
    %dma_start3A_103 = arith.constant 0 : i32
    %dma_start3A_104 = tpu.memref_slice %arg6[%add3A_102, %dma_start3A_103] : memref<16384x256xf32, #tpu.memory_space<hbm>> -> memref<128x128xf32, #tpu.memory_space<hbm>>
    %dma_start3A_105 = arith.constant 0 : i32
    %dma_start3A_106 = tpu.memref_slice %arg6[%add3A_102, %dma_start3A_105] : memref<16384x256xf32, #tpu.memory_space<hbm>> -> memref<128x128xf32, #tpu.memory_space<hbm>>
    tpu.enqueue_dma source(%arg13 : memref<128x128xf32, #tpu.memory_space<vmem>>) target(%dma_start3A_106 : memref<128x128xf32, #tpu.memory_space<hbm>>) target_semaphore(%arg18 : memref<!tpu.dma_semaphore, #tpu.memory_space<semaphore_mem>>)
    %dma_start3A_107 = arith.constant 128 : i32
    %dma_start3A_108 = tpu.memref_slice %arg6[%add3A_102, %dma_start3A_107] : memref<16384x256xf32, #tpu.memory_space<hbm>> -> memref<128x128xf32, #tpu.memory_space<hbm>>
    %dma_start3A_109 = arith.constant 128 : i32
    %dma_start3A_110 = tpu.memref_slice %arg6[%add3A_102, %dma_start3A_109] : memref<16384x256xf32, #tpu.memory_space<hbm>> -> memref<128x128xf32, #tpu.memory_space<hbm>>
    tpu.enqueue_dma source(%arg14 : memref<128x128xf32, #tpu.memory_space<vmem>>) target(%dma_start3A_110 : memref<128x128xf32, #tpu.memory_space<hbm>>) target_semaphore(%arg18 : memref<!tpu.dma_semaphore, #tpu.memory_space<semaphore_mem>>)
    %dma_wait3A_111 = arith.constant 0 : i32
    %dma_wait3A_112 = tpu.memref_slice %arg6[%add3A_86, %dma_wait3A_111] : memref<16384x256xf32, #tpu.memory_space<hbm>> -> memref<128x128xf32, #tpu.memory_space<hbm>>
    %dma_wait3A_113 = arith.constant 0 : i32
    %dma_wait3A_114 = tpu.memref_slice %arg6[%add3A_86, %dma_wait3A_113] : memref<16384x256xf32, #tpu.memory_space<hbm>> -> memref<128x128xf32, #tpu.memory_space<hbm>>
    tpu.wait_dma2 semaphore(%arg17 : memref<!tpu.dma_semaphore, #tpu.memory_space<semaphore_mem>>) src(%arg11 : memref<128x128xf32, #tpu.memory_space<vmem>>) dst(%dma_wait3A_114 : memref<128x128xf32, #tpu.memory_space<hbm>>)
    %dma_wait3A_115 = arith.constant 128 : i32
    %dma_wait3A_116 = tpu.memref_slice %arg6[%add3A_86, %dma_wait3A_115] : memref<16384x256xf32, #tpu.memory_space<hbm>> -> memref<128x128xf32, #tpu.memory_space<hbm>>
    %dma_wait3A_117 = arith.constant 128 : i32
    %dma_wait3A_118 = tpu.memref_slice %arg6[%add3A_86, %dma_wait3A_117] : memref<16384x256xf32, #tpu.memory_space<hbm>> -> memref<128x128xf32, #tpu.memory_space<hbm>>
    tpu.wait_dma2 semaphore(%arg17 : memref<!tpu.dma_semaphore, #tpu.memory_space<semaphore_mem>>) src(%arg12 : memref<128x128xf32, #tpu.memory_space<vmem>>) dst(%dma_wait3A_118 : memref<128x128xf32, #tpu.memory_space<hbm>>)
    %dma_wait3A_119 = arith.constant 0 : i32
    %dma_wait3A_120 = tpu.memref_slice %arg6[%add3A_102, %dma_wait3A_119] : memref<16384x256xf32, #tpu.memory_space<hbm>> -> memref<128x128xf32, #tpu.memory_space<hbm>>
    %dma_wait3A_121 = arith.constant 0 : i32
    %dma_wait3A_122 = tpu.memref_slice %arg6[%add3A_102, %dma_wait3A_121] : memref<16384x256xf32, #tpu.memory_space<hbm>> -> memref<128x128xf32, #tpu.memory_space<hbm>>
    tpu.wait_dma2 semaphore(%arg18 : memref<!tpu.dma_semaphore, #tpu.memory_space<semaphore_mem>>) src(%arg13 : memref<128x128xf32, #tpu.memory_space<vmem>>) dst(%dma_wait3A_122 : memref<128x128xf32, #tpu.memory_space<hbm>>)
    %dma_wait3A_123 = arith.constant 128 : i32
    %dma_wait3A_124 = tpu.memref_slice %arg6[%add3A_102, %dma_wait3A_123] : memref<16384x256xf32, #tpu.memory_space<hbm>> -> memref<128x128xf32, #tpu.memory_space<hbm>>
    %dma_wait3A_125 = arith.constant 128 : i32
    %dma_wait3A_126 = tpu.memref_slice %arg6[%add3A_102, %dma_wait3A_125] : memref<16384x256xf32, #tpu.memory_space<hbm>> -> memref<128x128xf32, #tpu.memory_space<hbm>>
    tpu.wait_dma2 semaphore(%arg18 : memref<!tpu.dma_semaphore, #tpu.memory_space<semaphore_mem>>) src(%arg14 : memref<128x128xf32, #tpu.memory_space<vmem>>) dst(%dma_wait3A_126 : memref<128x128xf32, #tpu.memory_space<hbm>>)
    return
  }
}

module attributes {stable_mosaic.version = 14 : i64} {
  func.func @_head_body(%arg0: i32, %arg1: memref<4096x128xbf16, #tpu.memory_space<vmem>>, %arg2: memref<2x128xf32, #tpu.memory_space<vmem>>, %arg3: memref<128xf32, #tpu.memory_space<vmem>>, %arg4: memref<128xf32, #tpu.memory_space<vmem>>, %arg5: memref<4096x256xf32, #tpu.memory_space<vmem>>, %arg6: memref<256x1xf32, #tpu.memory_space<vmem>>, %arg7: memref<1xf32, #tpu.memory_space<vmem>>, %arg8: memref<4096xf32, #tpu.memory_space<vmem>>, %arg9: memref<128x1xbf16, #tpu.memory_space<vmem>>, %arg10: memref<128x1xbf16, #tpu.memory_space<vmem>>, %arg11: memref<1x1xf32, #tpu.memory_space<smem>>) attributes {dimension_semantics = [#tpu.dimension_semantics<arbitrary>], iteration_bounds = array<i64: 4>, scalar_prefetch = 0 : i64, scratch_operands = 3 : i64, tpu.core_type = #tpu.core_type<tc>, window_params = [{transform_indices = @transform_0, window_bounds = array<i64: 4096, 128>}, {pipeline_mode = #tpu.pipeline_mode<synchronous>, transform_indices = @transform_1, window_bounds = array<i64: 2, 128>}, {pipeline_mode = #tpu.pipeline_mode<synchronous>, transform_indices = @transform_2, window_bounds = array<i64: 128>}, {pipeline_mode = #tpu.pipeline_mode<synchronous>, transform_indices = @transform_3, window_bounds = array<i64: 128>}, {transform_indices = @transform_4, window_bounds = array<i64: 4096, 256>}, {pipeline_mode = #tpu.pipeline_mode<synchronous>, transform_indices = @transform_5, window_bounds = array<i64: 256, 1>}, {pipeline_mode = #tpu.pipeline_mode<synchronous>, transform_indices = @transform_6, window_bounds = array<i64: 1>}, {transform_indices = @transform_7, window_bounds = array<i64: 4096>}]} {
    %get3A = arith.constant 0 : index
    %get3A_0 = arith.constant 0 : index
    %get3A_1 = vector.load %arg6[%get3A, %get3A_0] : memref<256x1xf32, #tpu.memory_space<vmem>>, vector<256x1xf32>
    %eq3A = arith.constant 0 : i32
    %eq3A_2 = arith.cmpi eq, %arg0, %eq3A : i32
    %convert_element_type3A = arith.extui %eq3A_2 : i1 to i32
    %cond3A = arith.constant 0 : i32
    %cond3A_3 = arith.cmpi ne, %convert_element_type3A, %cond3A : i32
    scf.if %cond3A_3 {
      %get3A_32 = arith.constant 0 : index
      %get3A_33 = arith.constant 0 : index
      %get3A_34 = vector.load %arg2[%get3A_32, %get3A_33] : memref<2x128xf32, #tpu.memory_space<vmem>>, vector<2x128xf32>
      %get3A_35 = arith.constant 0 : index
      %get3A_36 = vector.load %arg3[%get3A_35] : memref<128xf32, #tpu.memory_space<vmem>>, vector<128xf32>
      %get3A_37 = arith.constant 0 : index
      %get3A_38 = vector.load %arg4[%get3A_37] : memref<128xf32, #tpu.memory_space<vmem>>, vector<128xf32>
      %slice3A_39 = vector.extract_strided_slice %get3A_34 {offsets = [0, 0], sizes = [1, 128], strides = [1, 1]} : vector<2x128xf32> to vector<1x128xf32>
      %squeeze3A_40 = vector.shape_cast %slice3A_39 : vector<1x128xf32> to vector<128xf32>
      %mul3A_41 = arith.constant 6.10351563E-5 : f32
      %mul3A_42 = vector.broadcast %mul3A_41 : f32 to vector<128xf32>
      %mul3A_43 = arith.mulf %squeeze3A_40, %mul3A_42 : vector<128xf32>
      %slice3A_44 = vector.extract_strided_slice %get3A_34 {offsets = [1, 0], sizes = [1, 128], strides = [1, 1]} : vector<2x128xf32> to vector<1x128xf32>
      %squeeze3A_45 = vector.shape_cast %slice3A_44 : vector<1x128xf32> to vector<128xf32>
      %mul3A_46 = arith.constant 6.10351563E-5 : f32
      %mul3A_47 = vector.broadcast %mul3A_46 : f32 to vector<128xf32>
      %mul3A_48 = arith.mulf %squeeze3A_45, %mul3A_47 : vector<128xf32>
      %mul3A_49 = arith.mulf %mul3A_43, %mul3A_43 : vector<128xf32>
      %sub3A = arith.subf %mul3A_48, %mul3A_49 : vector<128xf32>
      %add3A_50 = arith.constant 9.99999974E-6 : f32
      %add3A_51 = vector.broadcast %add3A_50 : f32 to vector<128xf32>
      %add3A_52 = arith.addf %sub3A, %add3A_51 : vector<128xf32>
      %rsqrt3A = math.rsqrt %add3A_52 : vector<128xf32>
      %mul3A_53 = arith.mulf %get3A_36, %rsqrt3A : vector<128xf32>
      %mul3A_54 = arith.mulf %mul3A_43, %mul3A_53 : vector<128xf32>
      %sub3A_55 = arith.subf %get3A_38, %mul3A_54 : vector<128xf32>
      %slice3A_56 = vector.extract_strided_slice %get3A_1 {offsets = [0, 0], sizes = [128, 1], strides = [1, 1]} : vector<256x1xf32> to vector<128x1xf32>
      %convert_element_type3A_57 = arith.truncf %slice3A_56 : vector<128x1xf32> to vector<128x1xbf16>
      %swap3A_58 = arith.constant 0 : index
      %swap3A_59 = arith.constant 0 : index
      %swap3A_60 = vector.load %arg9[%swap3A_58, %swap3A_59] : memref<128x1xbf16, #tpu.memory_space<vmem>>, vector<128x1xbf16>
      tpu.vector_store %arg9[%swap3A_58, %swap3A_59], %convert_element_type3A_57 {strides = array<i32>} : memref<128x1xbf16, #tpu.memory_space<vmem>>, vector<128x1xbf16>,
      %broadcast_in_dim3A = vector.shape_cast %mul3A_53 : vector<128xf32> to vector<128x1xf32>
      %slice3A_61 = vector.extract_strided_slice %get3A_1 {offsets = [128, 0], sizes = [128, 1], strides = [1, 1]} : vector<256x1xf32> to vector<128x1xf32>
      %mul3A_62 = arith.mulf %broadcast_in_dim3A, %slice3A_61 : vector<128x1xf32>
      %convert_element_type3A_63 = arith.truncf %mul3A_62 : vector<128x1xf32> to vector<128x1xbf16>
      %swap3A_64 = arith.constant 0 : index
      %swap3A_65 = arith.constant 0 : index
      %swap3A_66 = vector.load %arg10[%swap3A_64, %swap3A_65] : memref<128x1xbf16, #tpu.memory_space<vmem>>, vector<128x1xbf16>
      tpu.vector_store %arg10[%swap3A_64, %swap3A_65], %convert_element_type3A_63 {strides = array<i32>} : memref<128x1xbf16, #tpu.memory_space<vmem>>, vector<128x1xbf16>,
      %broadcast_in_dim3A_67 = vector.shape_cast %sub3A_55 : vector<128xf32> to vector<128x1xf32>
      %slice3A_68 = vector.extract_strided_slice %get3A_1 {offsets = [128, 0], sizes = [128, 1], strides = [1, 1]} : vector<256x1xf32> to vector<128x1xf32>
      %mul3A_69 = arith.mulf %broadcast_in_dim3A_67, %slice3A_68 : vector<128x1xf32>
      %reduce_sum3A = vector.shape_cast %mul3A_69 : vector<128x1xf32> to vector<1x128x1xf32>
      %reduce_sum3A_70 = arith.constant dense<0.000000e+00> : vector<1xf32>
      %reduce_sum3A_71 = vector.multi_reduction <add>, %reduce_sum3A, %reduce_sum3A_70 [1, 2] : vector<1x128x1xf32> to vector<1xf32>
      %reduce_sum3A_72 = vector.shape_cast %reduce_sum3A_71 : vector<1xf32> to vector<1x1x1xf32>
      %reduce_sum3A_73 = vector.extract %reduce_sum3A_72[0, 0, 0] : f32 from vector<1x1x1xf32>
      %get3A_74 = arith.constant 0 : index
      %get3A_75 = vector.load %arg7[%get3A_74] : memref<1xf32, #tpu.memory_space<vmem>>, vector<1xf32>
      %get3A_76 = vector.extract %get3A_75[0] : f32 from vector<1xf32>
      %add3A_77 = arith.addf %reduce_sum3A_73, %get3A_76 : f32
      %swap3A_78 = arith.constant 0 : index
      %swap3A_79 = arith.constant 0 : index
      %swap3A_80 = memref.load %arg11[%swap3A_78, %swap3A_79] : memref<1x1xf32, #tpu.memory_space<smem>>
      memref.store %add3A_77, %arg11[%swap3A_78, %swap3A_79] : memref<1x1xf32, #tpu.memory_space<smem>>
    } else {
    }
    %get3A_4 = arith.constant 0 : index
    %get3A_5 = arith.constant 0 : index
    %get3A_6 = vector.load %arg5[%get3A_4, %get3A_5] : memref<4096x256xf32, #tpu.memory_space<vmem>>, vector<4096x256xf32>
    %slice3A = vector.extract_strided_slice %get3A_6 {offsets = [0, 0], sizes = [4096, 128], strides = [1, 1]} : vector<4096x256xf32> to vector<4096x128xf32>
    %slice3A_7 = vector.extract_strided_slice %get3A_6 {offsets = [0, 128], sizes = [4096, 128], strides = [1, 1]} : vector<4096x256xf32> to vector<4096x128xf32>
    %mul3A = arith.mulf %slice3A, %slice3A_7 : vector<4096x128xf32>
    %convert_element_type3A_8 = arith.truncf %mul3A : vector<4096x128xf32> to vector<4096x128xbf16>
    %get3A_9 = arith.constant 0 : index
    %get3A_10 = arith.constant 0 : index
    %get3A_11 = vector.load %arg9[%get3A_9, %get3A_10] : memref<128x1xbf16, #tpu.memory_space<vmem>>, vector<128x1xbf16>
    %dot_general3A = arith.constant dense<0.000000e+00> : vector<4096x1xf32>
    %dot_general3A_12 = tpu.matmul %convert_element_type3A_8, %get3A_11, %dot_general3A {dimension_numbers = #tpu.dot_dimension_numbers<[1], [0], [0], [1], [0, 0, 1, 1], [], []>, transpose_lhs_hint = false} : vector<4096x128xbf16>, vector<128x1xbf16>, vector<4096x1xf32> -> vector<4096x1xf32>
    %get3A_13 = arith.constant 0 : index
    %get3A_14 = arith.constant 0 : index
    %get3A_15 = vector.load %arg1[%get3A_13, %get3A_14] : memref<4096x128xbf16, #tpu.memory_space<vmem>>, vector<4096x128xbf16>
    %get3A_16 = arith.constant 0 : index
    %get3A_17 = arith.constant 0 : index
    %get3A_18 = vector.load %arg10[%get3A_16, %get3A_17] : memref<128x1xbf16, #tpu.memory_space<vmem>>, vector<128x1xbf16>
    %dot_general3A_19 = arith.constant dense<0.000000e+00> : vector<4096x1xf32>
    %dot_general3A_20 = tpu.matmul %get3A_15, %get3A_18, %dot_general3A_19 {dimension_numbers = #tpu.dot_dimension_numbers<[1], [0], [0], [1], [0, 0, 1, 1], [], []>, transpose_lhs_hint = false} : vector<4096x128xbf16>, vector<128x1xbf16>, vector<4096x1xf32> -> vector<4096x1xf32>
    %add3A = arith.addf %dot_general3A_12, %dot_general3A_20 : vector<4096x1xf32>
    %squeeze3A = vector.shape_cast %add3A : vector<4096x1xf32> to vector<4096xf32>
    %get3A_21 = arith.constant 0 : index
    %get3A_22 = arith.constant 0 : index
    %get3A_23 = memref.load %arg11[%get3A_21, %get3A_22] : memref<1x1xf32, #tpu.memory_space<smem>>
    %add3A_24 = vector.broadcast %get3A_23 : f32 to vector<4096xf32>
    %add3A_25 = arith.addf %squeeze3A, %add3A_24 : vector<4096xf32>
    %logistic3A = arith.negf %add3A_25 : vector<4096xf32>
    %logistic3A_26 = math.exp %logistic3A : vector<4096xf32>
    %logistic3A_27 = arith.constant 1.000000e+00 : f32
    %logistic3A_28 = vector.broadcast %logistic3A_27 : f32 to vector<4096xf32>
    %logistic3A_29 = arith.addf %logistic3A_28, %logistic3A_26 : vector<4096xf32>
    %logistic3A_30 = arith.divf %logistic3A_28, %logistic3A_29 : vector<4096xf32>
    %swap3A = arith.constant 0 : index
    %swap3A_31 = vector.load %arg8[%swap3A] : memref<4096xf32, #tpu.memory_space<vmem>>, vector<4096xf32>
    tpu.vector_store %arg8[%swap3A], %logistic3A_30 {strides = array<i32>} : memref<4096xf32, #tpu.memory_space<vmem>>, vector<4096xf32>,
    return
  }
  func.func @transform_0(%arg0: i32) -> (i32, i32) {
    %c0_i32 = arith.constant 0 : i32
    %c0_i32_0 = arith.constant 0 : i32
    return %arg0, %c0_i32 : i32, i32
  }
  func.func @transform_1(%arg0: i32) -> (i32, i32) {
    %c0_i32 = arith.constant 0 : i32
    %c0_i32_0 = arith.constant 0 : i32
    %c0_i32_1 = arith.constant 0 : i32
    return %c0_i32, %c0_i32_0 : i32, i32
  }
  func.func @transform_2(%arg0: i32) -> i32 {
    %c0_i32 = arith.constant 0 : i32
    %c0_i32_0 = arith.constant 0 : i32
    return %c0_i32 : i32
  }
  func.func @transform_3(%arg0: i32) -> i32 {
    %c0_i32 = arith.constant 0 : i32
    %c0_i32_0 = arith.constant 0 : i32
    return %c0_i32 : i32
  }
  func.func @transform_4(%arg0: i32) -> (i32, i32) {
    %c0_i32 = arith.constant 0 : i32
    %c0_i32_0 = arith.constant 0 : i32
    return %arg0, %c0_i32 : i32, i32
  }
  func.func @transform_5(%arg0: i32) -> (i32, i32) {
    %c0_i32 = arith.constant 0 : i32
    %c0_i32_0 = arith.constant 0 : i32
    %c0_i32_1 = arith.constant 0 : i32
    return %c0_i32, %c0_i32_0 : i32, i32
  }
  func.func @transform_6(%arg0: i32) -> i32 {
    %c0_i32 = arith.constant 0 : i32
    %c0_i32_0 = arith.constant 0 : i32
    return %c0_i32 : i32
  }
  func.func @transform_7(%arg0: i32) -> i32 {
    %c0_i32 = arith.constant 0 : i32
    return %arg0 : i32
  }
}

module attributes {stable_mosaic.version = 14 : i64} {
  func.func @_mega_body(%arg0: i32, %arg1: i32, %arg2: memref<4096x256xf32, #tpu.memory_space<vmem>>, %arg3: memref<256x512xf32, #tpu.memory_space<vmem>>, %arg4: memref<512xf32, #tpu.memory_space<vmem>>, %arg5: memref<512xf32, #tpu.memory_space<vmem>>, %arg6: memref<512xf32, #tpu.memory_space<vmem>>, %arg7: memref<512x256xf32, #tpu.memory_space<vmem>>, %arg8: memref<256xf32, #tpu.memory_space<vmem>>, %arg9: memref<256xf32, #tpu.memory_space<vmem>>, %arg10: memref<256xf32, #tpu.memory_space<vmem>>, %arg11: memref<256x128xf32, #tpu.memory_space<vmem>>, %arg12: memref<128xf32, #tpu.memory_space<vmem>>, %arg13: memref<4096x128xbf16, #tpu.memory_space<vmem>>, %arg14: memref<2x128xf32, #tpu.memory_space<vmem>>, %arg15: memref<16384x512xbf16, #tpu.memory_space<vmem>>, %arg16: memref<16384x256xbf16, #tpu.memory_space<vmem>>, %arg17: memref<2x512xf32, #tpu.memory_space<vmem>>, %arg18: memref<2x256xf32, #tpu.memory_space<vmem>>, %arg19: memref<512x256xbf16, #tpu.memory_space<vmem>>, %arg20: memref<1x256xf32, #tpu.memory_space<vmem>>, %arg21: memref<256x128xbf16, #tpu.memory_space<vmem>>, %arg22: memref<1x128xf32, #tpu.memory_space<vmem>>) attributes {dimension_semantics = [#tpu.dimension_semantics<arbitrary>, #tpu.dimension_semantics<arbitrary>], iteration_bounds = array<i64: 3, 4>, scalar_prefetch = 0 : i64, scratch_operands = 8 : i64, tpu.core_type = #tpu.core_type<tc>, window_params = [{transform_indices = @transform_0, window_bounds = array<i64: 4096, 256>}, {pipeline_mode = #tpu.pipeline_mode<synchronous>, transform_indices = @transform_1, window_bounds = array<i64: 256, 512>}, {pipeline_mode = #tpu.pipeline_mode<synchronous>, transform_indices = @transform_2, window_bounds = array<i64: 512>}, {pipeline_mode = #tpu.pipeline_mode<synchronous>, transform_indices = @transform_3, window_bounds = array<i64: 512>}, {pipeline_mode = #tpu.pipeline_mode<synchronous>, transform_indices = @transform_4, window_bounds = array<i64: 512>}, {pipeline_mode = #tpu.pipeline_mode<synchronous>, transform_indices = @transform_5, window_bounds = array<i64: 512, 256>}, {pipeline_mode = #tpu.pipeline_mode<synchronous>, transform_indices = @transform_6, window_bounds = array<i64: 256>}, {pipeline_mode = #tpu.pipeline_mode<synchronous>, transform_indices = @transform_7, window_bounds = array<i64: 256>}, {pipeline_mode = #tpu.pipeline_mode<synchronous>, transform_indices = @transform_8, window_bounds = array<i64: 256>}, {pipeline_mode = #tpu.pipeline_mode<synchronous>, transform_indices = @transform_9, window_bounds = array<i64: 256, 128>}, {pipeline_mode = #tpu.pipeline_mode<synchronous>, transform_indices = @transform_10, window_bounds = array<i64: 128>}, {transform_indices = @transform_11, window_bounds = array<i64: 4096, 128>}, {pipeline_mode = #tpu.pipeline_mode<synchronous>, transform_indices = @transform_12, window_bounds = array<i64: 2, 128>}]} {
    %mul3A = arith.constant 4096 : i32
    %mul3A_0 = arith.muli %arg1, %mul3A : i32
    %eq3A = arith.constant 0 : i32
    %eq3A_1 = arith.cmpi eq, %arg0, %eq3A : i32
    %convert_element_type3A = arith.extui %eq3A_1 : i1 to i32
    %cond3A = arith.constant 0 : i32
    %cond3A_2 = arith.cmpi ne, %convert_element_type3A, %cond3A : i32
    scf.if %cond3A_2 {
      %get3A = arith.constant 0 : index
      %get3A_13 = arith.constant 0 : index
      %get3A_14 = vector.load %arg3[%get3A, %get3A_13] : memref<256x512xf32, #tpu.memory_space<vmem>>, vector<256x512xf32>
      %convert_element_type3A_15 = arith.truncf %get3A_14 : vector<256x512xf32> to vector<256x512xbf16>
      %get3A_16 = arith.constant 0 : index
      %get3A_17 = arith.constant 0 : index
      %get3A_18 = vector.load %arg2[%get3A_16, %get3A_17] : memref<4096x256xf32, #tpu.memory_space<vmem>>, vector<4096x256xf32>
      %convert_element_type3A_19 = arith.truncf %get3A_18 : vector<4096x256xf32> to vector<4096x256xbf16>
      %dot_general3A = arith.constant dense<0.000000e+00> : vector<4096x512xf32>
      %dot_general3A_20 = tpu.matmul %convert_element_type3A_19, %convert_element_type3A_15, %dot_general3A {dimension_numbers = #tpu.dot_dimension_numbers<[1], [0], [0], [1], [0, 0, 1, 1], [], []>, transpose_lhs_hint = false} : vector<4096x256xbf16>, vector<256x512xbf16>, vector<4096x512xf32> -> vector<4096x512xf32>
      %get3A_21 = arith.constant 0 : index
      %get3A_22 = vector.load %arg4[%get3A_21] : memref<512xf32, #tpu.memory_space<vmem>>, vector<512xf32>
      %broadcast_in_dim3A = vector.shape_cast %get3A_22 : vector<512xf32> to vector<1x512xf32>
      %add3A = vector.broadcast %broadcast_in_dim3A : vector<1x512xf32> to vector<4096x512xf32>
      %add3A_23 = arith.addf %dot_general3A_20, %add3A : vector<4096x512xf32>
      %mul3A_24 = arith.constant 1.000000e-01 : f32
      %mul3A_25 = vector.broadcast %mul3A_24 : f32 to vector<4096x512xf32>
      %mul3A_26 = arith.mulf %mul3A_25, %add3A_23 : vector<4096x512xf32>
      %max3A = arith.maximumf %add3A_23, %mul3A_26 : vector<4096x512xf32>
      %convert_element_type3A_27 = arith.truncf %max3A : vector<4096x512xf32> to vector<4096x512xbf16>
      %swap3A = arith.index_cast %mul3A_0 : i32 to index
      %swap3A_28 = arith.constant 0 : index
      %swap3A_29 = vector.load %arg15[%swap3A, %swap3A_28] : memref<16384x512xbf16, #tpu.memory_space<vmem>>, vector<4096x512xbf16>
      tpu.vector_store %arg15[%swap3A, %swap3A_28], %convert_element_type3A_27 {strides = array<i32>} : memref<16384x512xbf16, #tpu.memory_space<vmem>>, vector<4096x512xbf16>,
      %reduce_sum3A = arith.constant dense<0.000000e+00> : vector<512xf32>
      %reduce_sum3A_30 = vector.multi_reduction <add>, %max3A, %reduce_sum3A [0] : vector<4096x512xf32> to vector<512xf32>
      %mul3A_31 = arith.mulf %max3A, %max3A : vector<4096x512xf32>
      %reduce_sum3A_32 = arith.constant dense<0.000000e+00> : vector<512xf32>
      %reduce_sum3A_33 = vector.multi_reduction <add>, %mul3A_31, %reduce_sum3A_32 [0] : vector<4096x512xf32> to vector<512xf32>
      %stack3A = vector.shape_cast %reduce_sum3A_30 : vector<512xf32> to vector<1x512xf32>
      %stack3A_34 = vector.shape_cast %reduce_sum3A_33 : vector<512xf32> to vector<1x512xf32>
      %stack3A_35 = tpu.concatenate %stack3A, %stack3A_34 in 0 : vector<1x512xf32>, vector<1x512xf32> -> vector<2x512xf32>
      %eq3A_36 = arith.constant 0 : i32
      %eq3A_37 = arith.cmpi eq, %arg1, %eq3A_36 : i32
      %convert_element_type3A_38 = arith.extui %eq3A_37 : i1 to i32
      %cond3A_39 = arith.constant 0 : i32
      %cond3A_40 = arith.cmpi ne, %convert_element_type3A_38, %cond3A_39 : i32
      scf.if %cond3A_40 {
        %swap3A_45 = arith.constant 0 : index
        %swap3A_46 = arith.constant 0 : index
        %swap3A_47 = vector.load %arg17[%swap3A_45, %swap3A_46] : memref<2x512xf32, #tpu.memory_space<vmem>>, vector<2x512xf32>
        tpu.vector_store %arg17[%swap3A_45, %swap3A_46], %stack3A_35 {strides = array<i32>} : memref<2x512xf32, #tpu.memory_space<vmem>>, vector<2x512xf32>,
      } else {
      }
      %gt3A = arith.constant 0 : i32
      %gt3A_41 = arith.cmpi sgt, %arg1, %gt3A : i32
      %convert_element_type3A_42 = arith.extui %gt3A_41 : i1 to i32
      %cond3A_43 = arith.constant 0 : i32
      %cond3A_44 = arith.cmpi ne, %convert_element_type3A_42, %cond3A_43 : i32
      scf.if %cond3A_44 {
        %get3A_45 = arith.constant 0 : index
        %get3A_46 = arith.constant 0 : index
        %get3A_47 = vector.load %arg17[%get3A_45, %get3A_46] : memref<2x512xf32, #tpu.memory_space<vmem>>, vector<2x512xf32>
        %add3A_48 = arith.addf %get3A_47, %stack3A_35 : vector<2x512xf32>
        %swap3A_49 = arith.constant 0 : index
        %swap3A_50 = arith.constant 0 : index
        %swap3A_51 = vector.load %arg17[%swap3A_49, %swap3A_50] : memref<2x512xf32, #tpu.memory_space<vmem>>, vector<2x512xf32>
        tpu.vector_store %arg17[%swap3A_49, %swap3A_50], %add3A_48 {strides = array<i32>} : memref<2x512xf32, #tpu.memory_space<vmem>>, vector<2x512xf32>,
      } else {
      }
    } else {
    }
    %eq3A_3 = arith.constant 1 : i32
    %eq3A_4 = arith.cmpi eq, %arg0, %eq3A_3 : i32
    %convert_element_type3A_5 = arith.extui %eq3A_4 : i1 to i32
    %cond3A_6 = arith.constant 0 : i32
    %cond3A_7 = arith.cmpi ne, %convert_element_type3A_5, %cond3A_6 : i32
    scf.if %cond3A_7 {
      %eq3A_13 = arith.constant 0 : i32
      %eq3A_14 = arith.cmpi eq, %arg1, %eq3A_13 : i32
      %convert_element_type3A_15 = arith.extui %eq3A_14 : i1 to i32
      %cond3A_16 = arith.constant 0 : i32
      %cond3A_17 = arith.cmpi ne, %convert_element_type3A_15, %cond3A_16 : i32
      scf.if %cond3A_17 {
        %get3A_49 = arith.constant 0 : index
        %get3A_50 = arith.constant 0 : index
        %get3A_51 = vector.load %arg17[%get3A_49, %get3A_50] : memref<2x512xf32, #tpu.memory_space<vmem>>, vector<2x512xf32>
        %get3A_52 = arith.constant 0 : index
        %get3A_53 = vector.load %arg5[%get3A_52] : memref<512xf32, #tpu.memory_space<vmem>>, vector<512xf32>
        %get3A_54 = arith.constant 0 : index
        %get3A_55 = vector.load %arg6[%get3A_54] : memref<512xf32, #tpu.memory_space<vmem>>, vector<512xf32>
        %slice3A = vector.extract_strided_slice %get3A_51 {offsets = [0, 0], sizes = [1, 512], strides = [1, 1]} : vector<2x512xf32> to vector<1x512xf32>
        %squeeze3A = vector.shape_cast %slice3A : vector<1x512xf32> to vector<512xf32>
        %mul3A_56 = arith.constant 6.10351563E-5 : f32
        %mul3A_57 = vector.broadcast %mul3A_56 : f32 to vector<512xf32>
        %mul3A_58 = arith.mulf %squeeze3A, %mul3A_57 : vector<512xf32>
        %slice3A_59 = vector.extract_strided_slice %get3A_51 {offsets = [1, 0], sizes = [1, 512], strides = [1, 1]} : vector<2x512xf32> to vector<1x512xf32>
        %squeeze3A_60 = vector.shape_cast %slice3A_59 : vector<1x512xf32> to vector<512xf32>
        %mul3A_61 = arith.constant 6.10351563E-5 : f32
        %mul3A_62 = vector.broadcast %mul3A_61 : f32 to vector<512xf32>
        %mul3A_63 = arith.mulf %squeeze3A_60, %mul3A_62 : vector<512xf32>
        %mul3A_64 = arith.mulf %mul3A_58, %mul3A_58 : vector<512xf32>
        %sub3A = arith.subf %mul3A_63, %mul3A_64 : vector<512xf32>
        %add3A_65 = arith.constant 9.99999974E-6 : f32
        %add3A_66 = vector.broadcast %add3A_65 : f32 to vector<512xf32>
        %add3A_67 = arith.addf %sub3A, %add3A_66 : vector<512xf32>
        %rsqrt3A = math.rsqrt %add3A_67 : vector<512xf32>
        %mul3A_68 = arith.mulf %get3A_53, %rsqrt3A : vector<512xf32>
        %mul3A_69 = arith.mulf %mul3A_58, %mul3A_68 : vector<512xf32>
        %sub3A_70 = arith.subf %get3A_55, %mul3A_69 : vector<512xf32>
        %get3A_71 = arith.constant 0 : index
        %get3A_72 = arith.constant 0 : index
        %get3A_73 = vector.load %arg7[%get3A_71, %get3A_72] : memref<512x256xf32, #tpu.memory_space<vmem>>, vector<512x256xf32>
        %broadcast_in_dim3A = vector.shape_cast %mul3A_68 : vector<512xf32> to vector<512x1xf32>
        %mul3A_74 = vector.broadcast %broadcast_in_dim3A : vector<512x1xf32> to vector<512x256xf32>
        %mul3A_75 = arith.mulf %mul3A_74, %get3A_73 : vector<512x256xf32>
        %convert_element_type3A_76 = arith.truncf %mul3A_75 : vector<512x256xf32> to vector<512x256xbf16>
        %swap3A_77 = arith.constant 0 : index
        %swap3A_78 = arith.constant 0 : index
        %swap3A_79 = vector.load %arg19[%swap3A_77, %swap3A_78] : memref<512x256xbf16, #tpu.memory_space<vmem>>, vector<512x256xbf16>
        tpu.vector_store %arg19[%swap3A_77, %swap3A_78], %convert_element_type3A_76 {strides = array<i32>} : memref<512x256xbf16, #tpu.memory_space<vmem>>, vector<512x256xbf16>,
        %broadcast_in_dim3A_80 = vector.shape_cast %sub3A_70 : vector<512xf32> to vector<1x512xf32>
        %dot_general3A_81 = arith.constant dense<0.000000e+00> : vector<1x256xf32>
        %dot_general3A_82 = tpu.matmul %broadcast_in_dim3A_80, %get3A_73, %dot_general3A_81 {dimension_numbers = #tpu.dot_dimension_numbers<[1], [0], [0], [1], [0, 0, 1, 1], [], []>, transpose_lhs_hint = false} : vector<1x512xf32>, vector<512x256xf32>, vector<1x256xf32> -> vector<1x256xf32>
        %get3A_83 = arith.constant 0 : index
        %get3A_84 = vector.load %arg8[%get3A_83] : memref<256xf32, #tpu.memory_space<vmem>>, vector<256xf32>
        %broadcast_in_dim3A_85 = vector.shape_cast %get3A_84 : vector<256xf32> to vector<1x256xf32>
        %add3A_86 = arith.addf %dot_general3A_82, %broadcast_in_dim3A_85 : vector<1x256xf32>
        %swap3A_87 = arith.constant 0 : index
        %swap3A_88 = arith.constant 0 : index
        %swap3A_89 = vector.load %arg20[%swap3A_87, %swap3A_88] : memref<1x256xf32, #tpu.memory_space<vmem>>, vector<1x256xf32>
        tpu.vector_store %arg20[%swap3A_87, %swap3A_88], %add3A_86 {strides = array<i32>} : memref<1x256xf32, #tpu.memory_space<vmem>>, vector<1x256xf32>,
      } else {
      }
      %get3A = arith.index_cast %mul3A_0 : i32 to index
      %get3A_18 = arith.constant 0 : index
      %get3A_19 = vector.load %arg15[%get3A, %get3A_18] : memref<16384x512xbf16, #tpu.memory_space<vmem>>, vector<4096x512xbf16>
      %get3A_20 = arith.constant 0 : index
      %get3A_21 = arith.constant 0 : index
      %get3A_22 = vector.load %arg19[%get3A_20, %get3A_21] : memref<512x256xbf16, #tpu.memory_space<vmem>>, vector<512x256xbf16>
      %dot_general3A = arith.constant dense<0.000000e+00> : vector<4096x256xf32>
      %dot_general3A_23 = tpu.matmul %get3A_19, %get3A_22, %dot_general3A {dimension_numbers = #tpu.dot_dimension_numbers<[1], [0], [0], [1], [0, 0, 1, 1], [], []>, transpose_lhs_hint = false} : vector<4096x512xbf16>, vector<512x256xbf16>, vector<4096x256xf32> -> vector<4096x256xf32>
      %get3A_24 = arith.constant 0 : index
      %get3A_25 = arith.constant 0 : index
      %get3A_26 = vector.load %arg20[%get3A_24, %get3A_25] : memref<1x256xf32, #tpu.memory_space<vmem>>, vector<1x256xf32>
      %add3A = vector.broadcast %get3A_26 : vector<1x256xf32> to vector<4096x256xf32>
      %add3A_27 = arith.addf %dot_general3A_23, %add3A : vector<4096x256xf32>
      %mul3A_28 = arith.constant 1.000000e-01 : f32
      %mul3A_29 = vector.broadcast %mul3A_28 : f32 to vector<4096x256xf32>
      %mul3A_30 = arith.mulf %mul3A_29, %add3A_27 : vector<4096x256xf32>
      %max3A = arith.maximumf %add3A_27, %mul3A_30 : vector<4096x256xf32>
      %convert_element_type3A_31 = arith.truncf %max3A : vector<4096x256xf32> to vector<4096x256xbf16>
      %swap3A = arith.index_cast %mul3A_0 : i32 to index
      %swap3A_32 = arith.constant 0 : index
      %swap3A_33 = vector.load %arg16[%swap3A, %swap3A_32] : memref<16384x256xbf16, #tpu.memory_space<vmem>>, vector<4096x256xbf16>
      tpu.vector_store %arg16[%swap3A, %swap3A_32], %convert_element_type3A_31 {strides = array<i32>} : memref<16384x256xbf16, #tpu.memory_space<vmem>>, vector<4096x256xbf16>,
      %reduce_sum3A = arith.constant dense<0.000000e+00> : vector<256xf32>
      %reduce_sum3A_34 = vector.multi_reduction <add>, %max3A, %reduce_sum3A [0] : vector<4096x256xf32> to vector<256xf32>
      %mul3A_35 = arith.mulf %max3A, %max3A : vector<4096x256xf32>
      %reduce_sum3A_36 = arith.constant dense<0.000000e+00> : vector<256xf32>
      %reduce_sum3A_37 = vector.multi_reduction <add>, %mul3A_35, %reduce_sum3A_36 [0] : vector<4096x256xf32> to vector<256xf32>
      %stack3A = vector.shape_cast %reduce_sum3A_34 : vector<256xf32> to vector<1x256xf32>
      %stack3A_38 = vector.shape_cast %reduce_sum3A_37 : vector<256xf32> to vector<1x256xf32>
      %stack3A_39 = tpu.concatenate %stack3A, %stack3A_38 in 0 : vector<1x256xf32>, vector<1x256xf32> -> vector<2x256xf32>
      %eq3A_40 = arith.constant 0 : i32
      %eq3A_41 = arith.cmpi eq, %arg1, %eq3A_40 : i32
      %convert_element_type3A_42 = arith.extui %eq3A_41 : i1 to i32
      %cond3A_43 = arith.constant 0 : i32
      %cond3A_44 = arith.cmpi ne, %convert_element_type3A_42, %cond3A_43 : i32
      scf.if %cond3A_44 {
        %swap3A_49 = arith.constant 0 : index
        %swap3A_50 = arith.constant 0 : index
        %swap3A_51 = vector.load %arg18[%swap3A_49, %swap3A_50] : memref<2x256xf32, #tpu.memory_space<vmem>>, vector<2x256xf32>
        tpu.vector_store %arg18[%swap3A_49, %swap3A_50], %stack3A_39 {strides = array<i32>} : memref<2x256xf32, #tpu.memory_space<vmem>>, vector<2x256xf32>,
      } else {
      }
      %gt3A = arith.constant 0 : i32
      %gt3A_45 = arith.cmpi sgt, %arg1, %gt3A : i32
      %convert_element_type3A_46 = arith.extui %gt3A_45 : i1 to i32
      %cond3A_47 = arith.constant 0 : i32
      %cond3A_48 = arith.cmpi ne, %convert_element_type3A_46, %cond3A_47 : i32
      scf.if %cond3A_48 {
        %get3A_49 = arith.constant 0 : index
        %get3A_50 = arith.constant 0 : index
        %get3A_51 = vector.load %arg18[%get3A_49, %get3A_50] : memref<2x256xf32, #tpu.memory_space<vmem>>, vector<2x256xf32>
        %add3A_52 = arith.addf %get3A_51, %stack3A_39 : vector<2x256xf32>
        %swap3A_53 = arith.constant 0 : index
        %swap3A_54 = arith.constant 0 : index
        %swap3A_55 = vector.load %arg18[%swap3A_53, %swap3A_54] : memref<2x256xf32, #tpu.memory_space<vmem>>, vector<2x256xf32>
        tpu.vector_store %arg18[%swap3A_53, %swap3A_54], %add3A_52 {strides = array<i32>} : memref<2x256xf32, #tpu.memory_space<vmem>>, vector<2x256xf32>,
      } else {
      }
    } else {
    }
    %eq3A_8 = arith.constant 2 : i32
    %eq3A_9 = arith.cmpi eq, %arg0, %eq3A_8 : i32
    %convert_element_type3A_10 = arith.extui %eq3A_9 : i1 to i32
    %cond3A_11 = arith.constant 0 : i32
    %cond3A_12 = arith.cmpi ne, %convert_element_type3A_10, %cond3A_11 : i32
    scf.if %cond3A_12 {
      %eq3A_13 = arith.constant 0 : i32
      %eq3A_14 = arith.cmpi eq, %arg1, %eq3A_13 : i32
      %convert_element_type3A_15 = arith.extui %eq3A_14 : i1 to i32
      %cond3A_16 = arith.constant 0 : i32
      %cond3A_17 = arith.cmpi ne, %convert_element_type3A_15, %cond3A_16 : i32
      scf.if %cond3A_17 {
        %get3A_49 = arith.constant 0 : index
        %get3A_50 = arith.constant 0 : index
        %get3A_51 = vector.load %arg18[%get3A_49, %get3A_50] : memref<2x256xf32, #tpu.memory_space<vmem>>, vector<2x256xf32>
        %get3A_52 = arith.constant 0 : index
        %get3A_53 = vector.load %arg9[%get3A_52] : memref<256xf32, #tpu.memory_space<vmem>>, vector<256xf32>
        %get3A_54 = arith.constant 0 : index
        %get3A_55 = vector.load %arg10[%get3A_54] : memref<256xf32, #tpu.memory_space<vmem>>, vector<256xf32>
        %slice3A = vector.extract_strided_slice %get3A_51 {offsets = [0, 0], sizes = [1, 256], strides = [1, 1]} : vector<2x256xf32> to vector<1x256xf32>
        %squeeze3A = vector.shape_cast %slice3A : vector<1x256xf32> to vector<256xf32>
        %mul3A_56 = arith.constant 6.10351563E-5 : f32
        %mul3A_57 = vector.broadcast %mul3A_56 : f32 to vector<256xf32>
        %mul3A_58 = arith.mulf %squeeze3A, %mul3A_57 : vector<256xf32>
        %slice3A_59 = vector.extract_strided_slice %get3A_51 {offsets = [1, 0], sizes = [1, 256], strides = [1, 1]} : vector<2x256xf32> to vector<1x256xf32>
        %squeeze3A_60 = vector.shape_cast %slice3A_59 : vector<1x256xf32> to vector<256xf32>
        %mul3A_61 = arith.constant 6.10351563E-5 : f32
        %mul3A_62 = vector.broadcast %mul3A_61 : f32 to vector<256xf32>
        %mul3A_63 = arith.mulf %squeeze3A_60, %mul3A_62 : vector<256xf32>
        %mul3A_64 = arith.mulf %mul3A_58, %mul3A_58 : vector<256xf32>
        %sub3A = arith.subf %mul3A_63, %mul3A_64 : vector<256xf32>
        %add3A_65 = arith.constant 9.99999974E-6 : f32
        %add3A_66 = vector.broadcast %add3A_65 : f32 to vector<256xf32>
        %add3A_67 = arith.addf %sub3A, %add3A_66 : vector<256xf32>
        %rsqrt3A = math.rsqrt %add3A_67 : vector<256xf32>
        %mul3A_68 = arith.mulf %get3A_53, %rsqrt3A : vector<256xf32>
        %mul3A_69 = arith.mulf %mul3A_58, %mul3A_68 : vector<256xf32>
        %sub3A_70 = arith.subf %get3A_55, %mul3A_69 : vector<256xf32>
        %get3A_71 = arith.constant 0 : index
        %get3A_72 = arith.constant 0 : index
        %get3A_73 = vector.load %arg11[%get3A_71, %get3A_72] : memref<256x128xf32, #tpu.memory_space<vmem>>, vector<256x128xf32>
        %broadcast_in_dim3A = vector.shape_cast %mul3A_68 : vector<256xf32> to vector<256x1xf32>
        %mul3A_74 = vector.broadcast %broadcast_in_dim3A : vector<256x1xf32> to vector<256x128xf32>
        %mul3A_75 = arith.mulf %mul3A_74, %get3A_73 : vector<256x128xf32>
        %convert_element_type3A_76 = arith.truncf %mul3A_75 : vector<256x128xf32> to vector<256x128xbf16>
        %swap3A_77 = arith.constant 0 : index
        %swap3A_78 = arith.constant 0 : index
        %swap3A_79 = vector.load %arg21[%swap3A_77, %swap3A_78] : memref<256x128xbf16, #tpu.memory_space<vmem>>, vector<256x128xbf16>
        tpu.vector_store %arg21[%swap3A_77, %swap3A_78], %convert_element_type3A_76 {strides = array<i32>} : memref<256x128xbf16, #tpu.memory_space<vmem>>, vector<256x128xbf16>,
        %broadcast_in_dim3A_80 = vector.shape_cast %sub3A_70 : vector<256xf32> to vector<1x256xf32>
        %dot_general3A_81 = arith.constant dense<0.000000e+00> : vector<1x128xf32>
        %dot_general3A_82 = tpu.matmul %broadcast_in_dim3A_80, %get3A_73, %dot_general3A_81 {dimension_numbers = #tpu.dot_dimension_numbers<[1], [0], [0], [1], [0, 0, 1, 1], [], []>, transpose_lhs_hint = false} : vector<1x256xf32>, vector<256x128xf32>, vector<1x128xf32> -> vector<1x128xf32>
        %get3A_83 = arith.constant 0 : index
        %get3A_84 = vector.load %arg12[%get3A_83] : memref<128xf32, #tpu.memory_space<vmem>>, vector<128xf32>
        %broadcast_in_dim3A_85 = vector.shape_cast %get3A_84 : vector<128xf32> to vector<1x128xf32>
        %add3A_86 = arith.addf %dot_general3A_82, %broadcast_in_dim3A_85 : vector<1x128xf32>
        %swap3A_87 = arith.constant 0 : index
        %swap3A_88 = arith.constant 0 : index
        %swap3A_89 = vector.load %arg22[%swap3A_87, %swap3A_88] : memref<1x128xf32, #tpu.memory_space<vmem>>, vector<1x128xf32>
        tpu.vector_store %arg22[%swap3A_87, %swap3A_88], %add3A_86 {strides = array<i32>} : memref<1x128xf32, #tpu.memory_space<vmem>>, vector<1x128xf32>,
      } else {
      }
      %get3A = arith.index_cast %mul3A_0 : i32 to index
      %get3A_18 = arith.constant 0 : index
      %get3A_19 = vector.load %arg16[%get3A, %get3A_18] : memref<16384x256xbf16, #tpu.memory_space<vmem>>, vector<4096x256xbf16>
      %get3A_20 = arith.constant 0 : index
      %get3A_21 = arith.constant 0 : index
      %get3A_22 = vector.load %arg21[%get3A_20, %get3A_21] : memref<256x128xbf16, #tpu.memory_space<vmem>>, vector<256x128xbf16>
      %dot_general3A = arith.constant dense<0.000000e+00> : vector<4096x128xf32>
      %dot_general3A_23 = tpu.matmul %get3A_19, %get3A_22, %dot_general3A {dimension_numbers = #tpu.dot_dimension_numbers<[1], [0], [0], [1], [0, 0, 1, 1], [], []>, transpose_lhs_hint = false} : vector<4096x256xbf16>, vector<256x128xbf16>, vector<4096x128xf32> -> vector<4096x128xf32>
      %get3A_24 = arith.constant 0 : index
      %get3A_25 = arith.constant 0 : index
      %get3A_26 = vector.load %arg22[%get3A_24, %get3A_25] : memref<1x128xf32, #tpu.memory_space<vmem>>, vector<1x128xf32>
      %add3A = vector.broadcast %get3A_26 : vector<1x128xf32> to vector<4096x128xf32>
      %add3A_27 = arith.addf %dot_general3A_23, %add3A : vector<4096x128xf32>
      %mul3A_28 = arith.constant 1.000000e-01 : f32
      %mul3A_29 = vector.broadcast %mul3A_28 : f32 to vector<4096x128xf32>
      %mul3A_30 = arith.mulf %mul3A_29, %add3A_27 : vector<4096x128xf32>
      %max3A = arith.maximumf %add3A_27, %mul3A_30 : vector<4096x128xf32>
      %convert_element_type3A_31 = arith.truncf %max3A : vector<4096x128xf32> to vector<4096x128xbf16>
      %swap3A = arith.constant 0 : index
      %swap3A_32 = arith.constant 0 : index
      %swap3A_33 = vector.load %arg13[%swap3A, %swap3A_32] : memref<4096x128xbf16, #tpu.memory_space<vmem>>, vector<4096x128xbf16>
      tpu.vector_store %arg13[%swap3A, %swap3A_32], %convert_element_type3A_31 {strides = array<i32>} : memref<4096x128xbf16, #tpu.memory_space<vmem>>, vector<4096x128xbf16>,
      %reduce_sum3A = arith.constant dense<0.000000e+00> : vector<128xf32>
      %reduce_sum3A_34 = vector.multi_reduction <add>, %max3A, %reduce_sum3A [0] : vector<4096x128xf32> to vector<128xf32>
      %mul3A_35 = arith.mulf %max3A, %max3A : vector<4096x128xf32>
      %reduce_sum3A_36 = arith.constant dense<0.000000e+00> : vector<128xf32>
      %reduce_sum3A_37 = vector.multi_reduction <add>, %mul3A_35, %reduce_sum3A_36 [0] : vector<4096x128xf32> to vector<128xf32>
      %stack3A = vector.shape_cast %reduce_sum3A_34 : vector<128xf32> to vector<1x128xf32>
      %stack3A_38 = vector.shape_cast %reduce_sum3A_37 : vector<128xf32> to vector<1x128xf32>
      %stack3A_39 = tpu.concatenate %stack3A, %stack3A_38 in 0 : vector<1x128xf32>, vector<1x128xf32> -> vector<2x128xf32>
      %eq3A_40 = arith.constant 0 : i32
      %eq3A_41 = arith.cmpi eq, %arg1, %eq3A_40 : i32
      %convert_element_type3A_42 = arith.extui %eq3A_41 : i1 to i32
      %cond3A_43 = arith.constant 0 : i32
      %cond3A_44 = arith.cmpi ne, %convert_element_type3A_42, %cond3A_43 : i32
      scf.if %cond3A_44 {
        %swap3A_49 = arith.constant 0 : index
        %swap3A_50 = arith.constant 0 : index
        %swap3A_51 = vector.load %arg14[%swap3A_49, %swap3A_50] : memref<2x128xf32, #tpu.memory_space<vmem>>, vector<2x128xf32>
        tpu.vector_store %arg14[%swap3A_49, %swap3A_50], %stack3A_39 {strides = array<i32>} : memref<2x128xf32, #tpu.memory_space<vmem>>, vector<2x128xf32>,
      } else {
      }
      %gt3A = arith.constant 0 : i32
      %gt3A_45 = arith.cmpi sgt, %arg1, %gt3A : i32
      %convert_element_type3A_46 = arith.extui %gt3A_45 : i1 to i32
      %cond3A_47 = arith.constant 0 : i32
      %cond3A_48 = arith.cmpi ne, %convert_element_type3A_46, %cond3A_47 : i32
      scf.if %cond3A_48 {
        %get3A_49 = arith.constant 0 : index
        %get3A_50 = arith.constant 0 : index
        %get3A_51 = vector.load %arg14[%get3A_49, %get3A_50] : memref<2x128xf32, #tpu.memory_space<vmem>>, vector<2x128xf32>
        %add3A_52 = arith.addf %get3A_51, %stack3A_39 : vector<2x128xf32>
        %swap3A_53 = arith.constant 0 : index
        %swap3A_54 = arith.constant 0 : index
        %swap3A_55 = vector.load %arg14[%swap3A_53, %swap3A_54] : memref<2x128xf32, #tpu.memory_space<vmem>>, vector<2x128xf32>
        tpu.vector_store %arg14[%swap3A_53, %swap3A_54], %add3A_52 {strides = array<i32>} : memref<2x128xf32, #tpu.memory_space<vmem>>, vector<2x128xf32>,
      } else {
      }
    } else {
    }
    return
  }
  func.func @transform_0(%arg0: i32, %arg1: i32) -> (i32, i32) {
    %eq3A = arith.constant 0 : i32
    %eq3A_0 = arith.cmpi eq, %arg0, %eq3A : i32
    %jit3A = arith.constant 0 : i32
    %select_n3A = arith.select %eq3A_0, %arg1, %jit3A : i32
    %c0_i32 = arith.constant 0 : i32
    %c0_i32_1 = arith.constant 0 : i32
    return %select_n3A, %c0_i32 : i32, i32
  }
  func.func @transform_1(%arg0: i32, %arg1: i32) -> (i32, i32) {
    %c0_i32 = arith.constant 0 : i32
    %c0_i32_0 = arith.constant 0 : i32
    %c0_i32_1 = arith.constant 0 : i32
    return %c0_i32, %c0_i32_0 : i32, i32
  }
  func.func @transform_2(%arg0: i32, %arg1: i32) -> i32 {
    %c0_i32 = arith.constant 0 : i32
    %c0_i32_0 = arith.constant 0 : i32
    return %c0_i32 : i32
  }
  func.func @transform_3(%arg0: i32, %arg1: i32) -> i32 {
    %c0_i32 = arith.constant 0 : i32
    %c0_i32_0 = arith.constant 0 : i32
    return %c0_i32 : i32
  }
  func.func @transform_4(%arg0: i32, %arg1: i32) -> i32 {
    %c0_i32 = arith.constant 0 : i32
    %c0_i32_0 = arith.constant 0 : i32
    return %c0_i32 : i32
  }
  func.func @transform_5(%arg0: i32, %arg1: i32) -> (i32, i32) {
    %c0_i32 = arith.constant 0 : i32
    %c0_i32_0 = arith.constant 0 : i32
    %c0_i32_1 = arith.constant 0 : i32
    return %c0_i32, %c0_i32_0 : i32, i32
  }
  func.func @transform_6(%arg0: i32, %arg1: i32) -> i32 {
    %c0_i32 = arith.constant 0 : i32
    %c0_i32_0 = arith.constant 0 : i32
    return %c0_i32 : i32
  }
  func.func @transform_7(%arg0: i32, %arg1: i32) -> i32 {
    %c0_i32 = arith.constant 0 : i32
    %c0_i32_0 = arith.constant 0 : i32
    return %c0_i32 : i32
  }
  func.func @transform_8(%arg0: i32, %arg1: i32) -> i32 {
    %c0_i32 = arith.constant 0 : i32
    %c0_i32_0 = arith.constant 0 : i32
    return %c0_i32 : i32
  }
  func.func @transform_9(%arg0: i32, %arg1: i32) -> (i32, i32) {
    %c0_i32 = arith.constant 0 : i32
    %c0_i32_0 = arith.constant 0 : i32
    %c0_i32_1 = arith.constant 0 : i32
    return %c0_i32, %c0_i32_0 : i32, i32
  }
  func.func @transform_10(%arg0: i32, %arg1: i32) -> i32 {
    %c0_i32 = arith.constant 0 : i32
    %c0_i32_0 = arith.constant 0 : i32
    return %c0_i32 : i32
  }
  func.func @transform_11(%arg0: i32, %arg1: i32) -> (i32, i32) {
    %eq3A = arith.constant 2 : i32
    %eq3A_0 = arith.cmpi eq, %arg0, %eq3A : i32
    %jit3A = arith.constant 0 : i32
    %select_n3A = arith.select %eq3A_0, %arg1, %jit3A : i32
    %c0_i32 = arith.constant 0 : i32
    %c0_i32_1 = arith.constant 0 : i32
    return %select_n3A, %c0_i32 : i32, i32
  }
  func.func @transform_12(%arg0: i32, %arg1: i32) -> (i32, i32) {
    %c0_i32 = arith.constant 0 : i32
    %c0_i32_0 = arith.constant 0 : i32
    %c0_i32_1 = arith.constant 0 : i32
    return %c0_i32, %c0_i32_0 : i32, i32
  }
}

</mosaic_0001>

<sc_bundles>
// kernel: kernel.6.cloned.1.call-start
scs
__scs_entry_jumppad:
0x0: {  	(pc) =	sbr.rel $0x88, $3  }
0x1: {  	(tag) =	ssettag $0x0;
	lr =	simm.s32 $0x1  }
0x2: {  	[smem:$0x3F8D] =	sst lr;
	_ =	strace $0xD0000000  }
0x3: {  	_ = 	snop  }
0x4: {  	_ = 	snop  }
0x5: {  	_ = 	snop  }
0x6: {  	_ = 	snop  }
0x7: {  	_ = 	snop  }
__scs_overlays_trampoline_lowered:
0x8: {  	[smem:$0x3F9C] =	sst s0  }
0x9: {  	[smem:$0x3F9D] =	sst s1  }
0xa: {  	[smem:$0x3F9E] =	sst s2  }
0xb: {  	[smem:$0x3F9F] =	sst s3  }
0xc: {  	[smem:$0x3FA0] =	sst s4  }
0xd: {  	[smem:$0x3FA1] =	sst s5  }
0xe: {  	[smem:$0x3FA2] =	sst s6  }
0xf: {  	[smem:$0x3FA3] =	sst s7  }
0x10: {  	[smem:$0x3FA4] =	sst s8  }
0x11: {  	[smem:$0x3FA5] =	sst s9;
	s0 =	simm.s32 @!p0 $0x0  }
0x12: {  	s1 =	sld [smem:$0x3F8B];
	s0 =	simm.s32 @p0 $0x1  }
0x13: {  	[smem:$0x3FA6] =	sst s0;
	s0 =	simm.s32 @!p1 $0x0  }
0x14: {  	s2 =	sld [smem:$0x3F8A];
	s0 =	simm.s32 @p1 $0x1  }
0x15: {  	[smem:$0x3FA7] =	sst s0;
	s0 =	simm.s32 @!p2 $0x0  }
0x16: {  	s3 =	sld [smem:$0x3FDB];
	s0 =	simm.s32 @p2 $0x1  }
0x17: {  	s4 =	simm.s32 $0x1BF5;
	[smem:$0x3FA9] =	sst s0  }
0x18: {  	s0 =	sld [smem:$0x3F8C];
	_ =	swait.ge [sflag:s4], $0x0  }
0x19: {  	s7 =	sld [smem:$0x3F8D]  }
0x1a: {  	s8 =	sadd.s32 $0xFFFFE003, lr  }
0x1b: {  	s9 =	sadd.s32 $0xFFFFFEF7, lr;
	s5 =	simm.s32 $0xFFFFFFFF;
	p2 =	slt.u32 s8, $0xFFFFF086  }
0x1c: {  	p1 =	slt.u32 s9, $0xF7A;
	s5 =	simm.s32 @!p2 $0x0  }
0x1d: {  	s5 =	simm.s32 @p1 $0x1;
	p0 =	seq.s32 s7, s2  }
0x1e: {  	s7 =	smul.u32 @!p0 $0xF7A, s2;
	p2 =	seq.s32 @!p0 s5, $0x0  }
0x1f: {  	s9 =	smul.u32 $0xF7A, s1;
	s8 =	simm.s32 @!p0 $0x1BF5;
	p2 =	por !p2, p0  }
0x20: {  	[sflag:s8] =	ssyncset.s32 @!p0 $0xFFFFF086;
	s6 =	sadd.s32 @!p0 s3, s7;
	s7 =	simm.s32 @!p0 $0x108  }
0x21: {  	s3 =	sadd.s32 s3, s9;
	s6 =	sadd.s32 @!p0 $0x88, s6;
	s7 =	simm.s32 @p2 $0x1082  }
0x22: {  	[simem:s7], [sflag:s8] =	dma.local @!p0 [hbm:s6], $0xF7A  }
0x23: {  	s9 =	sor.u32 $0xD0000000, s2;
	s6 =	simm.s32 $0x108;
	_ =	swait.ge @!p0 [sflag:s8], $0x0  }
0x24: {  	s3 =	sadd.s32 $0x88, s3;
	s6 =	simm.s32 @!p1 $0x1082;
	[sflag:s4] =	ssyncset.s32 $0xFFFFF086  }
0x25: {  	[simem:s6], [sflag:s4] =	dma.local [hbm:s3], $0xF7A  }
0x26: {  	[smem:$0x3F8D] =	sst s1;
	(tag) =	ssettag s2;
	_ =	strace s9  }
0x27: {  	s1 =	sld [smem:$0x3F9D]  }
0x28: {  	s2 =	sld [smem:$0x3F9E]  }
0x29: {  	s4 =	sld [smem:$0x3FA0]  }
0x2a: {  	p0 =	seq.s32 s5, $0x0;
	s5 =	sld [smem:$0x3FA1]  }
0x2b: {  	s6 =	sld [smem:$0x3FA2]  }
0x2c: {  	s7 =	sld [smem:$0x3FA3]  }
0x2d: {  	s3 =	simm.s32 $0x108;
	s8 =	sld [smem:$0x3FA4]  }
0x2e: {  	s3 =	simm.s32 @!p0 $0x1082;
	s9 =	sld [smem:$0x3FA5]  }
0x2f: {  	lr =	sadd.s32 s0, s3;
	s0 =	sld [smem:$0x3F9C]  }
0x30: {  	s3 =	sld [smem:$0x3F9F]  }
0x31: {  	[smem:$0x3FA8] =	sst s10  }
0x32: {  	s10 =	sld [smem:$0x3FA6];
	_ =	sdelay $0x3  }
0x33: {  	p0 =	seq.s32 s10, $0x1;
	s10 =	sld [smem:$0x3FA8];
	_ =	sdelay $0x3  }
0x34: {  	[smem:$0x3FA8] =	sst s10  }
0x35: {  	s10 =	sld [smem:$0x3FA7];
	_ =	sdelay $0x3  }
0x36: {  	p1 =	seq.s32 s10, $0x1;
	s10 =	sld [smem:$0x3FA8];
	_ =	sdelay $0x3  }
0x37: {  	[smem:$0x3FA8] =	sst s10  }
0x38: {  	s10 =	sld [smem:$0x3FA9]  }
0x39: {  	_ = 	snop;
	(pc) =	sbr.ind lr, $3  }
0x3a: {  	_ = 	snop  }
0x3b: {  	_ = 	snop  }
0x3c: {  	p2 =	seq.s32 s10, $0x1;
	s10 =	sld [smem:$0x3FA8]  }
0x3d: {  	_ =	shalt  }
0x3e: {  	_ =	shalt  }
0x3f: {  	_ =	shalt  }
0x40: {  	_ =	shalt  }
0x41: {  	_ =	shalt  }
0x42: {  	_ =	shalt  }
0x43: {  	_ =	shalt  }
0x44: {  	_ =	shalt  }
0x45: {  	_ =	shalt  }
0x46: {  	_ =	shalt  }
0x47: {  	_ =	shalt  }
0x48: {  	_ =	shalt  }
0x49: {  	_ =	shalt  }
0x4a: {  	_ =	shalt  }
0x4b: {  	_ =	shalt  }
0x4c: {  	_ =	shalt  }
0x4d: {  	_ =	shalt  }
0x4e: {  	_ =	shalt  }
0x4f: {  	_ =	shalt  }
0x50: {  	_ =	shalt  }
0x51: {  	_ =	shalt  }
0x52: {  	_ =	shalt  }
0x53: {  	_ =	shalt  }
0x54: {  	_ =	shalt  }
0x55: {  	_ =	shalt  }
0x56: {  	_ =	shalt  }
0x57: {  	_ =	shalt  }
0x58: {  	_ =	shalt  }
0x59: {  	_ =	shalt  }
0x5a: {  	_ =	shalt  }
0x5b: {  	_ =	shalt  }
0x5c: {  	_ =	shalt  }
0x5d: {  	_ =	shalt  }
0x5e: {  	_ =	shalt  }
0x5f: {  	_ =	shalt  }
0x60: {  	_ =	shalt  }
0x61: {  	_ =	shalt  }
0x62: {  	_ =	shalt  }
0x63: {  	_ =	shalt  }
0x64: {  	_ =	shalt  }
0x65: {  	_ =	shalt  }
0x66: {  	_ =	shalt  }
0x67: {  	_ =	shalt  }
0x68: {  	_ =	shalt  }
0x69: {  	_ =	shalt  }
0x6a: {  	_ =	shalt  }
0x6b: {  	_ =	shalt  }
0x6c: {  	_ =	shalt  }
0x6d: {  	_ =	shalt  }
0x6e: {  	_ =	shalt  }
0x6f: {  	_ =	shalt  }
0x70: {  	_ =	shalt  }
0x71: {  	_ =	shalt  }
0x72: {  	_ =	shalt  }
0x73: {  	_ =	shalt  }
0x74: {  	_ =	shalt  }
0x75: {  	_ =	shalt  }
0x76: {  	_ =	shalt  }
0x77: {  	_ =	shalt  }
0x78: {  	_ =	shalt  }
0x79: {  	_ =	shalt  }
0x7a: {  	_ =	shalt  }
0x7b: {  	_ =	shalt  }
0x7c: {  	_ =	shalt  }
0x7d: {  	_ =	shalt  }
0x7e: {  	_ =	shalt  }
0x7f: {  	_ =	shalt  }
0x80: {  	_ =	shalt  }
0x81: {  	_ =	shalt  }
0x82: {  	_ =	shalt  }
0x83: {  	_ =	shalt  }
0x84: {  	_ =	shalt  }
0x85: {  	_ =	shalt  }
0x86: {  	_ =	shalt  }
0x87: {  	_ =	shalt  }
.Lfunc_end0:
.L_simem_size_0:
called_computation_lowered:
.L_overlay_start_0:
0x88: {  	s2 =	sld [smem:$0x3FD9]  }
0x89: {  	s3 =	sld [smem:$0x3FFE];
	_ =	sdelay $0x1  }
0x8a: {  	s1 =	srdreg.scid  }
0x8b: {  	s0 =	sand.u32 $0x1, s1  }
0x8c: {  	s17 =	sshll.u32 s0, $0xA;
	s2 =	sadd.s32 s3, s2  }
0x8d: {  	s2 =	sadd.s32 s2, s17  }
0x8e: {  	[smem:$0x3FB4] =	sst s2  }
0x8f: {  	_ = 	snop  }
0x90: {  	s2 =	sld [smem:$0x3FC9]  }
0x91: {  	s18 =	sld [smem:$0x3FC8]  }
0x92: {  	s4 =	sld [smem:$0x3FC5]  }
0x93: {  	s5 =	sld [smem:$0x3FC4];
	(tm) =	ssettm $0x1  }
0x94: {  	s6 =	sld [smem:$0x3FFB];
	_ =	sdelay $0x3  }
0x95: {  	_ =	strace s6  }
0x96: {  	s6 =	sld [smem:$0x3FFC];
	_ =	sdelay $0x3  }
0x97: {  	_ =	strace s6  }
0x98: {  	s6 =	sld [smem:$0x3FFD];
	_ =	sdelay $0x3  }
0x99: {  	_ =	strace s6  }
0x9a: {  	_ =	strace $0x8FFFFFFF  }
0x9b: {  	s19 =	sld [smem:$0x3FDB];
	_ =	sdelay $0x1  }
0x9c: {  	s7 =	simm.s32 $_scs_section_size  }
0x9d: {  	s8 =	simm.s32 $_size__tile_overlayer_lowered;
	s9 =	simm.s32 $_tile_overlayer_lowered  }
0x9e: {  	s22 =	simm.s32 $0x1BFF;
	s21 =	sshll.u32 s9, $0x1;
	s6 =	sadd.s32 s7, s19  }
0x9f: {  	s10 =	simm.s32 $0x0;
	s20 =	sshll.u32 s8, $0x1;
	s8 =	sadd.s32 s21, s6  }
0xa0: {  	[timem:s10], [sflag:s22] =	dma.local [hbm:s8], s20  }
0xa1: {  	_ =	swait.ge [sflag:s22], s20  }
0xa2: {  	s7 =	ssub.s32 $0x0, s20;
	[sflag:s22] =	ssyncset.done $0x0  }
0xa3: {  	[sflag:s22] =	ssyncadd.s32 s7;
	_ =	sdelay $0x1  }
0xa4: {  	s23 =	simm.s32 $0x1B8B  }
0xa5: {  	_ =	swait.ge [sflag:s23], $0x1  }
0xa6: {  	[sflag:s23] =	ssyncset.done $0x0  }
0xa7: {  	s25 =	simm.s32 $0x1B8E;
	s24 =	sld [smem:$0x3FFE];
	[sflag:s23] =	ssyncadd.s32 $0xFFFFFFFF  }
0xa8: {  	s26 =	simm.s32 $execute0_lowered;
	[smem:$0x3FD2] =	sst s25  }
0xa9: {  	s8 =	sshll.u32 s26, $0x1;
	_ =	strace $0x80000046;
	[dreg:$0x1] =	wrdreg $0xFFFFFFFF  }
0xaa: {  	s28 =	simm.s32 $_size_execute0_lowered;
	s6 =	sadd.s32 s6, s8;
	[dreg:$0x0] =	wrdreg $0x0  }
0xab: {  	s8 =	sshll.u32 s28, $0x1;
	[dreg:$0x2] =	wrdreg s6  }
0xac: {  	[dreg:$0x3] =	wrdreg s8  }
0xad: {  	[dreg:$0x4] =	wrdreg $0xC0  }
0xae: {  	_ =	task [dreg:s10], $0x5FFFF  }
0xaf: {  	[dreg:$0x1] =	wrdreg $0xFFFFFFFF  }
0xb0: {  	[dreg:$0x0] =	wrdreg $0x60  }
0xb1: {  	[dreg:$0x2] =	wrdreg s2  }
0xb2: {  	[dreg:$0x3] =	wrdreg s18  }
0xb3: {  	[dreg:$0x4] =	wrdreg s4  }
0xb4: {  	[dreg:$0x5] =	wrdreg s5  }
0xb5: {  	[dreg:$0x6] =	wrdreg s24  }
0xb6: {  	[dreg:$0x7] =	wrdreg $0x9  }
0xb7: {  	_ =	task.clear_ibuf [dreg:s10], $0x8FFFF;
	_ =	strace $0x90000046  }
0xb8: {  	s29 =	simm.s32 $0x9;
	_ =	strace $0x80000048  }
0xb9: {  	_ =	swait.ge [sflag:s29], $0x1  }
0xba: {  	[sflag:s29] =	ssyncadd.s32 $0xFFFFFFFF  }
0xbb: {  	_ =	strace $0x90000048  }
0xbc: {  	_ =	sfence  }
0xbd: {  	s30 =	sld [smem:$0x0];
	_ =	sdelay $0x2  }
0xbe: {  	s31 =	sshll.u32 s1, $0xD;
	s1 =	sshrl.u32 s1, $0x2  }
0xbf: {  	s3 =	sand.u32 $0x4000, s31;
	s1 =	sadd.s32 s1, s30  }
0xc0: {  	s0 =	sor.u32 s3, s0;
	s1 =	sshll.u32 s1, $0x11  }
0xc1: {  	s0 =	sor.u32 s1, s0  }
0xc2: {  	s0 =	sadd.s32 $0x8F2B, s0  }
0xc3: {  	[sflag:s0] =	ssyncadd.remote.s32 $0x1  }
0xc4: {  	_ =	sfence.sel $0xFFFF  }
0xc5: {  	[dreg:$0x0] =	wrdreg $0xFFFFFFFF;
	(pc) =	sbr.abs _section_cstart, $3  }
0xc6: {  	[dreg:$0x1] =	wrdreg $0xFFFFFFFF  }
0xc7: {  	_ =	task.clear_ibuf [dreg:s10], $0x2FFFF;
	_ =	strace $0x9FFFFFFF  }
0xc8: {  	(tm) =	ssettm $0x7FFFFFFF  }
0xc9: {  	_ =	shalt  }
tec
execute0_lowered:
.L_overlay_start_1:
0x0: {  	(tag) =	ssettag $0x1  }
0x1: {  	s0 =	rddreg [dreg:$0x0]  }
0x2: {  	s1 =	rddreg [dreg:$0x1]  }
0x3: {  	s2 =	rddreg [dreg:$0x2]  }
0x4: {  	s3 =	rddreg [dreg:$0x3]  }
0x5: {  	s5 =	rddreg [dreg:$0x4]  }
0x6: {  	s4 =	srdreg.scid;
	s7 =	stileid.u32  }
0x7: {  	s31 =	simm.s32 $0x100;
	p0 =	por $0x0, $0x0;
	s6 =	sand.u32 $0x1, s4  }
0x8: {  	s4 =	simm.s32 $0x0;
	s7 =	sshll.u32 s7, $0xA;
	s9 =	sadd.s32 $0x2800, s5  }
0x9: {  	s13 =	sadd.s32 $0x2880, s5;
	s8 =	sshll.u32 s6, $0x9;
	[smem:$0x7FF] =	sst s4  }
0xa: {  	s6 =	ssub.s32 $0x2, s6;
	s7 =	sor.u32 s8, s7;
	_ =	strace $0x80000047  }
0xb: {  	s12 =	sshrl.u32 s6, $0x1;
	s8 =	sshrl.u32 s7, $0x3;
	s11 =	sor.u32 $0x80, s7  }
0xc: {  	s23 =	ssub.s32 s6, s12;
	s25 =	sor.u32 $0x100, s7;
	s12 =	sshll.u32 s7, $0x5  }
0xd: {  	s16 =	sor.u32 $0x180, s7;
	s10 =	sadd.s32 s0, s8;
	s8 =	sadd.s32 s1, s8  }
0xe: {  	s20 =	sshrl.u32 s11, $0x3;
	s14 =	sshrl.u32 s25, $0x3;
	s28 =	sadd.s32 s9, s12  }
0xf: {  	s29 =	sadd.s32 s12, s13;
	s15 =	sshll.u32 s11, $0x5;
	s17 =	sshrl.u32 s16, $0x3  }
0x10: {  	s18 =	sshll.u32 s25, $0x5;
	s23 =	smax.u32 s23, $0x1;
	s25 =	simm.s32 $0x5  }
0x11: {  	s11 =	simm.s32 $0xC200;
	s12 =	simm.s32 $0x3;
	[dreg:$0x6] =	wrdreg s10  }
0x12: {  	[dreg:$0x7] =	wrdreg s8;
	s21 =	sadd.s32 s0, s20;
	s22 =	sadd.s32 s1, s20  }
0x13: {  	s30 =	sadd.s32 s0, s14;
	s26 =	sadd.s32 s1, s14;
	s20 =	sadd.s32 s9, s15  }
0x14: {  	s24 =	sadd.s32 s0, s17;
	s19 =	sadd.s32 s1, s17;
	s7 =	sadd.s32 s9, s18  }
0x15: {  	s8 =	sadd.s32 s18, s13;
	s18 =	simm.s32 $0x80;
	s14 =	simm.s32 $0x4200  }
0x16: {  	s10 =	simm.s32 $0x8200;
	p1 =	sne.s32 s23, $0x1;
	s0 =	sadd.s32 $0xFFFFFFFF, s23  }
.Ltmp0:
0x17: {  	s23 =	simm.s32 $0x1;
	[dreg:$0x8] =	wrdreg s21;
	(pc) =	sbr.rel @!p1 .LBB2_3-.Ltmp0, $4  }
0x18: {  	s17 =	simm.s32 $0x2;
	[dreg:$0x9] =	wrdreg s22;
	s21 =	sadd.s32 s15, s13  }
0x19: {  	s22 =	sshll.u32 s16, $0x5;
	s15 =	simm.s32 $0x400;
	s16 =	simm.s32 $0x800  }
0x1a: {  	s1 =	rddreg [dreg:$0x6];
	s5 =	sadd.s32 s9, s22;
	s6 =	sadd.s32 s22, s13  }
0x1b: {  	s13 =	simm.s32 $0x200;
	s22 =	simm.s32 $0x180;
	s9 =	simm.s32 $0x4  }
0x1c: {  	[tilespmem:s4], [sflag:$0x5] =	stream.linear.gather [hbm4b:s1+s4], $0x80, $0x38;
	[tilespmem:$0x10200] =	vst v63  }
0x1d: {  	_ =	swait.ge [sflag:s25], $0x80  }
0x1e: {  	[sflag:s25] =	ssyncset.done $0x0  }
0x1f: {  	s1 =	rddreg [dreg:$0x7];
	[sflag:s25] =	ssyncadd.s32 $0xFFFFFF80  }
0x20: {  	[tilespmem:s31], [sflag:$0x5] =	stream.linear.gather [hbm4b:s1+s4], $0x80, $0x38;
	[tilespmem:$0x10200] =	vst v63  }
0x21: {  	_ =	swait.ge [sflag:s25], $0x80  }
0x22: {  	[sflag:s25] =	ssyncset.done $0x0  }
0x23: {  	[sflag:s25] =	ssyncadd.s32 $0xFFFFFF80  }
0x24: {  	[tilespmem:s13], [sflag:$0x1] =	stream.indirect.gather [hbm4b:s2+s18], $0x80, s4, s18, $0xb8;
	[tilespmem:$0x10200] =	vst v63  }
0x25: {  	_ = 	snop  }
0x26: {  	[tilespmem:s14], [sflag:$0x1] =	stream.indirect.gather [hbm4b:s3+s18], $0x80, s31, s18, $0xb8;
	[tilespmem:$0x10200] =	vst v63  }
0x27: {  	s1 =	rddreg [dreg:$0x8]  }
0x28: {  	[tilespmem:s18], [sflag:$0x5] =	stream.linear.gather [hbm4b:s1+s4], $0x80, $0x38;
	[tilespmem:$0x10200] =	vst v63  }
0x29: {  	_ =	swait.ge [sflag:s25], $0x80  }
0x2a: {  	[sflag:s25] =	ssyncset.done $0x0  }
0x2b: {  	s1 =	rddreg [dreg:$0x9];
	[sflag:s25] =	ssyncadd.s32 $0xFFFFFF80  }
0x2c: {  	[tilespmem:s22], [sflag:$0x5] =	stream.linear.gather [hbm4b:s1+s4], $0x80, $0x38;
	[tilespmem:$0x10200] =	vst v63  }
0x2d: {  	_ =	swait.ge [sflag:s25], $0x80  }
0x2e: {  	[sflag:s25] =	ssyncset.done $0x0  }
0x2f: {  	[sflag:s25] =	ssyncadd.s32 $0xFFFFFF80  }
0x30: {  	[tilespmem:s10], [sflag:$0x2] =	stream.indirect.gather [hbm4b:s2+s18], $0x80, s18, s18, $0xb8;
	[tilespmem:$0x10200] =	vst v63  }
0x31: {  	_ = 	snop  }
0x32: {  	[tilespmem:s11], [sflag:$0x2] =	stream.indirect.gather [hbm4b:s3+s18], $0x80, s22, s18, $0xb8;
	[tilespmem:$0x10200] =	vst v63  }
0x33: {  	_ =	swait.ge [sflag:s23], $0x4000  }
0x34: {  	[sflag:s23] =	ssyncset.done $0x0  }
0x35: {  	[sflag:s23] =	ssyncadd.s32 $0xFFFFC000  }
0x36: {  	_ =	swait.ge [sflag:s23], $0x4000  }
0x37: {  	[sflag:s23] =	ssyncset.done $0x0  }
0x38: {  	[sflag:s23] =	ssyncadd.s32 $0xFFFFC000  }
0x39: {  	[hbm4b:s28+s15] =	stream.strided.scatter [tilespmem:s13], [sflag:$0x3], $0x4000, s16, s15, $0x38;
	[tilespmem:$0x10200] =	vst v63  }
0x3a: {  	_ = 	snop  }
0x3b: {  	[hbm4b:s29+s15] =	stream.strided.scatter [tilespmem:s14], [sflag:$0x3], $0x4000, s16, s15, $0x38;
	[tilespmem:$0x10200] =	vst v63  }
0x3c: {  	_ = 	snop  }
0x3d: {  	[tilespmem:s4], [sflag:$0x5] =	stream.linear.gather [hbm4b:s30+s4], $0x80, $0x38;
	[tilespmem:$0x10200] =	vst v63  }
0x3e: {  	_ =	swait.ge [sflag:s25], $0x80  }
0x3f: {  	[sflag:s25] =	ssyncset.done $0x0  }
0x40: {  	[sflag:s25] =	ssyncadd.s32 $0xFFFFFF80  }
0x41: {  	[tilespmem:s31], [sflag:$0x5] =	stream.linear.gather [hbm4b:s26+s4], $0x80, $0x38;
	[tilespmem:$0x10200] =	vst v63  }
0x42: {  	_ =	swait.ge [sflag:s25], $0x80  }
0x43: {  	[sflag:s25] =	ssyncset.done $0x0  }
0x44: {  	[sflag:s25] =	ssyncadd.s32 $0xFFFFFF80  }
0x45: {  	_ =	swait.ge [sflag:s12], $0x4000  }
0x46: {  	[sflag:s12] =	ssyncset.done $0x0  }
0x47: {  	[sflag:s12] =	ssyncadd.s32 $0xFFFFC000  }
0x48: {  	_ =	swait.ge [sflag:s12], $0x4000  }
0x49: {  	[sflag:s12] =	ssyncset.done $0x0  }
0x4a: {  	[sflag:s12] =	ssyncadd.s32 $0xFFFFC000  }
0x4b: {  	[tilespmem:s13], [sflag:$0x1] =	stream.indirect.gather [hbm4b:s2+s18], $0x80, s4, s18, $0xb8;
	[tilespmem:$0x10200] =	vst v63  }
0x4c: {  	_ = 	snop  }
0x4d: {  	[tilespmem:s14], [sflag:$0x1] =	stream.indirect.gather [hbm4b:s3+s18], $0x80, s31, s18, $0xb8;
	[tilespmem:$0x10200] =	vst v63  }
0x4e: {  	_ =	swait.ge [sflag:s17], $0x4000  }
0x4f: {  	[sflag:s17] =	ssyncset.done $0x0  }
0x50: {  	[sflag:s17] =	ssyncadd.s32 $0xFFFFC000  }
0x51: {  	_ =	swait.ge [sflag:s17], $0x4000  }
0x52: {  	[sflag:s17] =	ssyncset.done $0x0  }
0x53: {  	[sflag:s17] =	ssyncadd.s32 $0xFFFFC000  }
0x54: {  	[hbm4b:s20+s15] =	stream.strided.scatter [tilespmem:s10], [sflag:$0x4], $0x4000, s16, s15, $0x38;
	[tilespmem:$0x10200] =	vst v63  }
0x55: {  	_ = 	snop  }
0x56: {  	[hbm4b:s21+s15] =	stream.strided.scatter [tilespmem:s11], [sflag:$0x4], $0x4000, s16, s15, $0x38;
	[tilespmem:$0x10200] =	vst v63  }
0x57: {  	_ = 	snop  }
0x58: {  	[tilespmem:s18], [sflag:$0x5] =	stream.linear.gather [hbm4b:s24+s4], $0x80, $0x38;
	[tilespmem:$0x10200] =	vst v63  }
0x59: {  	_ =	swait.ge [sflag:s25], $0x80  }
0x5a: {  	[sflag:s25] =	ssyncset.done $0x0  }
0x5b: {  	[sflag:s25] =	ssyncadd.s32 $0xFFFFFF80  }
0x5c: {  	[tilespmem:s22], [sflag:$0x5] =	stream.linear.gather [hbm4b:s19+s4], $0x80, $0x38;
	[tilespmem:$0x10200] =	vst v63  }
0x5d: {  	_ =	swait.ge [sflag:s25], $0x80  }
0x5e: {  	[sflag:s25] =	ssyncset.done $0x0  }
0x5f: {  	[sflag:s25] =	ssyncadd.s32 $0xFFFFFF80  }
0x60: {  	_ =	swait.ge [sflag:s9], $0x4000  }
0x61: {  	[sflag:s9] =	ssyncset.done $0x0  }
0x62: {  	[sflag:s9] =	ssyncadd.s32 $0xFFFFC000  }
0x63: {  	_ =	swait.ge [sflag:s9], $0x4000  }
0x64: {  	[sflag:s9] =	ssyncset.done $0x0  }
0x65: {  	[sflag:s9] =	ssyncadd.s32 $0xFFFFC000  }
0x66: {  	[tilespmem:s10], [sflag:$0x2] =	stream.indirect.gather [hbm4b:s2+s18], $0x80, s18, s18, $0xb8;
	[tilespmem:$0x10200] =	vst v63  }
0x67: {  	_ = 	snop  }
0x68: {  	[tilespmem:s11], [sflag:$0x2] =	stream.indirect.gather [hbm4b:s3+s18], $0x80, s22, s18, $0xb8;
	[tilespmem:$0x10200] =	vst v63  }
0x69: {  	_ =	swait.ge [sflag:s23], $0x4000  }
0x6a: {  	[sflag:s23] =	ssyncset.done $0x0  }
0x6b: {  	[sflag:s23] =	ssyncadd.s32 $0xFFFFC000  }
0x6c: {  	_ =	swait.ge [sflag:s23], $0x4000  }
0x6d: {  	[sflag:s23] =	ssyncset.done $0x0  }
0x6e: {  	[sflag:s23] =	ssyncadd.s32 $0xFFFFC000  }
0x6f: {  	[hbm4b:s7+s15] =	stream.strided.scatter [tilespmem:s13], [sflag:$0x3], $0x4000, s16, s15, $0x38;
	[tilespmem:$0x10200] =	vst v63  }
0x70: {  	_ = 	snop  }
0x71: {  	[hbm4b:s8+s15] =	stream.strided.scatter [tilespmem:s14], [sflag:$0x3], $0x4000, s16, s15, $0x38;
	[tilespmem:$0x10200] =	vst v63  }
0x72: {  	_ =	swait.ge [sflag:s17], $0x4000  }
0x73: {  	[sflag:s17] =	ssyncset.done $0x0  }
0x74: {  	[sflag:s17] =	ssyncadd.s32 $0xFFFFC000  }
0x75: {  	_ =	swait.ge [sflag:s17], $0x4000  }
0x76: {  	[sflag:s17] =	ssyncset.done $0x0  }
0x77: {  	[sflag:s17] =	ssyncadd.s32 $0xFFFFC000  }
0x78: {  	[hbm4b:s5+s15] =	stream.strided.scatter [tilespmem:s10], [sflag:$0x4], $0x4000, s16, s15, $0x38;
	[tilespmem:$0x10200] =	vst v63  }
0x79: {  	_ = 	snop  }
0x7a: {  	[hbm4b:s6+s15] =	stream.strided.scatter [tilespmem:s11], [sflag:$0x4], $0x4000, s16, s15, $0x38;
	[tilespmem:$0x10200] =	vst v63  }
0x7b: {  	_ =	swait.ge [sflag:s12], $0x4000  }
0x7c: {  	[sflag:s12] =	ssyncset.done $0x0  }
0x7d: {  	[sflag:s12] =	ssyncadd.s32 $0xFFFFC000  }
0x7e: {  	_ =	swait.ge [sflag:s12], $0x4000  }
0x7f: {  	[sflag:s12] =	ssyncset.done $0x0  }
0x80: {  	p1 =	sne.s32 s0, $0x1;
	[sflag:s12] =	ssyncadd.s32 $0xFFFFC000  }
.Ltmp1:
0x81: {  	_ =	swait.ge [sflag:s9], $0x4000;
	(pc) =	sbr.rel @!p1 .LBB2_3-.Ltmp1, $4  }
0x82: {  	[sflag:s9] =	ssyncset.done $0x0  }
0x83: {  	[sflag:s9] =	ssyncadd.s32 $0xFFFFC000  }
0x84: {  	s0 =	sadd.s32 $0xFFFFFFFF, s0;
	_ =	swait.ge [sflag:s9], $0x4000  }
0x85: {  	p0 =	por $0x1, $0x1;
	s1 =	rddreg [dreg:$0x6];
	[sflag:s9] =	ssyncset.done $0x0  }
.LBB2_2:
0x86: {  	[sflag:s9] =	ssyncadd.s32 $0xFFFFC000  }
0x87: {  	[tilespmem:s4], [sflag:$0x5] =	stream.linear.gather [hbm4b:s1+s4], $0x80, $0x38;
	[tilespmem:$0x10200] =	vst v63  }
0x88: {  	_ =	swait.ge [sflag:s25], $0x80  }
0x89: {  	[sflag:s25] =	ssyncset.done $0x0  }
0x8a: {  	s1 =	rddreg [dreg:$0x7];
	[sflag:s25] =	ssyncadd.s32 $0xFFFFFF80  }
0x8b: {  	[tilespmem:s31], [sflag:$0x5] =	stream.linear.gather [hbm4b:s1+s4], $0x80, $0x38;
	[tilespmem:$0x10200] =	vst v63  }
0x8c: {  	_ =	swait.ge [sflag:s25], $0x80  }
0x8d: {  	[sflag:s25] =	ssyncset.done $0x0  }
0x8e: {  	[sflag:s25] =	ssyncadd.s32 $0xFFFFFF80  }
0x8f: {  	[tilespmem:s13], [sflag:$0x1] =	stream.indirect.gather [hbm4b:s2+s18], $0x80, s4, s18, $0xb8;
	[tilespmem:$0x10200] =	vst v63  }
0x90: {  	_ = 	snop  }
0x91: {  	[tilespmem:s14], [sflag:$0x1] =	stream.indirect.gather [hbm4b:s3+s18], $0x80, s31, s18, $0xb8;
	[tilespmem:$0x10200] =	vst v63  }
0x92: {  	s1 =	rddreg [dreg:$0x8]  }
0x93: {  	[tilespmem:s18], [sflag:$0x5] =	stream.linear.gather [hbm4b:s1+s4], $0x80, $0x38;
	[tilespmem:$0x10200] =	vst v63  }
0x94: {  	_ =	swait.ge [sflag:s25], $0x80  }
0x95: {  	[sflag:s25] =	ssyncset.done $0x0  }
0x96: {  	s1 =	rddreg [dreg:$0x9];
	[sflag:s25] =	ssyncadd.s32 $0xFFFFFF80  }
0x97: {  	[tilespmem:s22], [sflag:$0x5] =	stream.linear.gather [hbm4b:s1+s4], $0x80, $0x38;
	[tilespmem:$0x10200] =	vst v63  }
0x98: {  	_ =	swait.ge [sflag:s25], $0x80  }
0x99: {  	[sflag:s25] =	ssyncset.done $0x0  }
0x9a: {  	[sflag:s25] =	ssyncadd.s32 $0xFFFFFF80  }
0x9b: {  	[tilespmem:s10], [sflag:$0x2] =	stream.indirect.gather [hbm4b:s2+s18], $0x80, s18, s18, $0xb8;
	[tilespmem:$0x10200] =	vst v63  }
0x9c: {  	_ = 	snop  }
0x9d: {  	[tilespmem:s11], [sflag:$0x2] =	stream.indirect.gather [hbm4b:s3+s18], $0x80, s22, s18, $0xb8;
	[tilespmem:$0x10200] =	vst v63  }
0x9e: {  	_ =	swait.ge [sflag:s23], $0x4000  }
0x9f: {  	[sflag:s23] =	ssyncset.done $0x0  }
0xa0: {  	[sflag:s23] =	ssyncadd.s32 $0xFFFFC000  }
0xa1: {  	_ =	swait.ge [sflag:s23], $0x4000  }
0xa2: {  	[sflag:s23] =	ssyncset.done $0x0  }
0xa3: {  	[sflag:s23] =	ssyncadd.s32 $0xFFFFC000  }
0xa4: {  	[hbm4b:s28+s15] =	stream.strided.scatter [tilespmem:s13], [sflag:$0x3], $0x4000, s16, s15, $0x38;
	[tilespmem:$0x10200] =	vst v63  }
0xa5: {  	_ = 	snop  }
0xa6: {  	[hbm4b:s29+s15] =	stream.strided.scatter [tilespmem:s14], [sflag:$0x3], $0x4000, s16, s15, $0x38;
	[tilespmem:$0x10200] =	vst v63  }
0xa7: {  	_ = 	snop  }
0xa8: {  	[tilespmem:s4], [sflag:$0x5] =	stream.linear.gather [hbm4b:s30+s4], $0x80, $0x38;
	[tilespmem:$0x10200] =	vst v63  }
0xa9: {  	_ =	swait.ge [sflag:s25], $0x80  }
0xaa: {  	[sflag:s25] =	ssyncset.done $0x0  }
0xab: {  	[sflag:s25] =	ssyncadd.s32 $0xFFFFFF80  }
0xac: {  	[tilespmem:s31], [sflag:$0x5] =	stream.linear.gather [hbm4b:s26+s4], $0x80, $0x38;
	[tilespmem:$0x10200] =	vst v63  }
0xad: {  	_ =	swait.ge [sflag:s25], $0x80  }
0xae: {  	[sflag:s25] =	ssyncset.done $0x0  }
0xaf: {  	[sflag:s25] =	ssyncadd.s32 $0xFFFFFF80  }
0xb0: {  	_ =	swait.ge [sflag:s12], $0x4000  }
0xb1: {  	[sflag:s12] =	ssyncset.done $0x0  }
0xb2: {  	[sflag:s12] =	ssyncadd.s32 $0xFFFFC000  }
0xb3: {  	_ =	swait.ge [sflag:s12], $0x4000  }
0xb4: {  	[sflag:s12] =	ssyncset.done $0x0  }
0xb5: {  	[sflag:s12] =	ssyncadd.s32 $0xFFFFC000  }
0xb6: {  	[tilespmem:s13], [sflag:$0x1] =	stream.indirect.gather [hbm4b:s2+s18], $0x80, s4, s18, $0xb8;
	[tilespmem:$0x10200] =	vst v63  }
0xb7: {  	_ = 	snop  }
0xb8: {  	[tilespmem:s14], [sflag:$0x1] =	stream.indirect.gather [hbm4b:s3+s18], $0x80, s31, s18, $0xb8;
	[tilespmem:$0x10200] =	vst v63  }
0xb9: {  	_ =	swait.ge [sflag:s17], $0x4000  }
0xba: {  	[sflag:s17] =	ssyncset.done $0x0  }
0xbb: {  	[sflag:s17] =	ssyncadd.s32 $0xFFFFC000  }
0xbc: {  	_ =	swait.ge [sflag:s17], $0x4000  }
0xbd: {  	[sflag:s17] =	ssyncset.done $0x0  }
0xbe: {  	[sflag:s17] =	ssyncadd.s32 $0xFFFFC000  }
0xbf: {  	[hbm4b:s20+s15] =	stream.strided.scatter [tilespmem:s10], [sflag:$0x4], $0x4000, s16, s15, $0x38;
	[tilespmem:$0x10200] =	vst v63  }
0xc0: {  	_ = 	snop  }
0xc1: {  	[hbm4b:s21+s15] =	stream.strided.scatter [tilespmem:s11], [sflag:$0x4], $0x4000, s16, s15, $0x38;
	[tilespmem:$0x10200] =	vst v63  }
0xc2: {  	_ = 	snop  }
0xc3: {  	[tilespmem:s18], [sflag:$0x5] =	stream.linear.gather [hbm4b:s24+s4], $0x80, $0x38;
	[tilespmem:$0x10200] =	vst v63  }
0xc4: {  	_ =	swait.ge [sflag:s25], $0x80  }
0xc5: {  	[sflag:s25] =	ssyncset.done $0x0  }
0xc6: {  	[sflag:s25] =	ssyncadd.s32 $0xFFFFFF80  }
0xc7: {  	[tilespmem:s22], [sflag:$0x5] =	stream.linear.gather [hbm4b:s19+s4], $0x80, $0x38;
	[tilespmem:$0x10200] =	vst v63  }
0xc8: {  	_ =	swait.ge [sflag:s25], $0x80  }
0xc9: {  	[sflag:s25] =	ssyncset.done $0x0  }
0xca: {  	[sflag:s25] =	ssyncadd.s32 $0xFFFFFF80  }
0xcb: {  	_ =	swait.ge [sflag:s9], $0x4000  }
0xcc: {  	[sflag:s9] =	ssyncset.done $0x0  }
0xcd: {  	[sflag:s9] =	ssyncadd.s32 $0xFFFFC000  }
0xce: {  	_ =	swait.ge [sflag:s9], $0x4000  }
0xcf: {  	[sflag:s9] =	ssyncset.done $0x0  }
0xd0: {  	[sflag:s9] =	ssyncadd.s32 $0xFFFFC000  }
0xd1: {  	[tilespmem:s10], [sflag:$0x2] =	stream.indirect.gather [hbm4b:s2+s18], $0x80, s18, s18, $0xb8;
	[tilespmem:$0x10200] =	vst v63  }
0xd2: {  	_ = 	snop  }
0xd3: {  	[tilespmem:s11], [sflag:$0x2] =	stream.indirect.gather [hbm4b:s3+s18], $0x80, s22, s18, $0xb8;
	[tilespmem:$0x10200] =	vst v63  }
0xd4: {  	_ =	swait.ge [sflag:s23], $0x4000  }
0xd5: {  	[sflag:s23] =	ssyncset.done $0x0  }
0xd6: {  	[sflag:s23] =	ssyncadd.s32 $0xFFFFC000  }
0xd7: {  	_ =	swait.ge [sflag:s23], $0x4000  }
0xd8: {  	[sflag:s23] =	ssyncset.done $0x0  }
0xd9: {  	[sflag:s23] =	ssyncadd.s32 $0xFFFFC000  }
0xda: {  	[hbm4b:s7+s15] =	stream.strided.scatter [tilespmem:s13], [sflag:$0x3], $0x4000, s16, s15, $0x38;
	[tilespmem:$0x10200] =	vst v63  }
0xdb: {  	_ = 	snop  }
0xdc: {  	[hbm4b:s8+s15] =	stream.strided.scatter [tilespmem:s14], [sflag:$0x3], $0x4000, s16, s15, $0x38;
	[tilespmem:$0x10200] =	vst v63  }
0xdd: {  	_ =	swait.ge [sflag:s17], $0x4000  }
0xde: {  	[sflag:s17] =	ssyncset.done $0x0  }
0xdf: {  	[sflag:s17] =	ssyncadd.s32 $0xFFFFC000  }
0xe0: {  	_ =	swait.ge [sflag:s17], $0x4000  }
0xe1: {  	[sflag:s17] =	ssyncset.done $0x0  }
0xe2: {  	[sflag:s17] =	ssyncadd.s32 $0xFFFFC000  }
0xe3: {  	[hbm4b:s5+s15] =	stream.strided.scatter [tilespmem:s10], [sflag:$0x4], $0x4000, s16, s15, $0x38;
	[tilespmem:$0x10200] =	vst v63  }
0xe4: {  	_ = 	snop  }
0xe5: {  	[hbm4b:s6+s15] =	stream.strided.scatter [tilespmem:s11], [sflag:$0x4], $0x4000, s16, s15, $0x38;
	[tilespmem:$0x10200] =	vst v63  }
0xe6: {  	_ =	swait.ge [sflag:s12], $0x4000  }
0xe7: {  	[sflag:s12] =	ssyncset.done $0x0  }
0xe8: {  	[sflag:s12] =	ssyncadd.s32 $0xFFFFC000  }
0xe9: {  	_ =	swait.ge [sflag:s12], $0x4000  }
0xea: {  	[sflag:s12] =	ssyncset.done $0x0  }
0xeb: {  	p1 =	sne.s32 s0, $0x1;
	[sflag:s12] =	ssyncadd.s32 $0xFFFFC000  }
.Ltmp2:
0xec: {  	_ =	swait.ge [sflag:s9], $0x4000;
	(pc) =	sbr.rel @p1 .LBB2_2-.Ltmp2, $4  }
0xed: {  	[sflag:s9] =	ssyncset.done $0x0  }
0xee: {  	[sflag:s9] =	ssyncadd.s32 $0xFFFFC000  }
0xef: {  	_ =	swait.ge [sflag:s9], $0x4000  }
0xf0: {  	s0 =	sadd.s32 $0xFFFFFFFF, s0;
	s1 =	rddreg [dreg:$0x6];
	[sflag:s9] =	ssyncset.done $0x0  }
.LBB2_3:
0xf1: {  	[sflag:s9] =	ssyncadd.s32 @p0 $0xFFFFC000  }
0xf2: {  	[tilespmem:s4], [sflag:$0x5] =	stream.linear.gather [hbm4b:s1+s4], $0x80, $0x38;
	[tilespmem:$0x10200] =	vst v63  }
0xf3: {  	_ =	swait.ge [sflag:s25], $0x80  }
0xf4: {  	[sflag:s25] =	ssyncset.done $0x0  }
0xf5: {  	s0 =	rddreg [dreg:$0x7];
	[sflag:s25] =	ssyncadd.s32 $0xFFFFFF80  }
0xf6: {  	[tilespmem:s31], [sflag:$0x5] =	stream.linear.gather [hbm4b:s0+s4], $0x80, $0x38;
	[tilespmem:$0x10200] =	vst v63  }
0xf7: {  	_ =	swait.ge [sflag:s25], $0x80  }
0xf8: {  	[sflag:s25] =	ssyncset.done $0x0  }
0xf9: {  	[sflag:s25] =	ssyncadd.s32 $0xFFFFFF80  }
0xfa: {  	[tilespmem:s13], [sflag:$0x1] =	stream.indirect.gather [hbm4b:s2+s18], $0x80, s4, s18, $0xb8;
	[tilespmem:$0x10200] =	vst v63  }
0xfb: {  	_ = 	snop  }
0xfc: {  	[tilespmem:s14], [sflag:$0x1] =	stream.indirect.gather [hbm4b:s3+s18], $0x80, s31, s18, $0xb8;
	[tilespmem:$0x10200] =	vst v63  }
0xfd: {  	s1 =	rddreg [dreg:$0x8]  }
0xfe: {  	[tilespmem:s18], [sflag:$0x5] =	stream.linear.gather [hbm4b:s1+s4], $0x80, $0x38;
	[tilespmem:$0x10200] =	vst v63  }
0xff: {  	_ =	swait.ge [sflag:s25], $0x80  }
0x100: {  	[sflag:s25] =	ssyncset.done $0x0  }
0x101: {  	s1 =	rddreg [dreg:$0x9];
	[sflag:s25] =	ssyncadd.s32 $0xFFFFFF80  }
0x102: {  	[tilespmem:s22], [sflag:$0x5] =	stream.linear.gather [hbm4b:s1+s4], $0x80, $0x38;
	[tilespmem:$0x10200] =	vst v63  }
0x103: {  	_ =	swait.ge [sflag:s25], $0x80  }
0x104: {  	[sflag:s25] =	ssyncset.done $0x0  }
0x105: {  	[sflag:s25] =	ssyncadd.s32 $0xFFFFFF80  }
0x106: {  	[tilespmem:s10], [sflag:$0x2] =	stream.indirect.gather [hbm4b:s2+s18], $0x80, s18, s18, $0xb8;
	[tilespmem:$0x10200] =	vst v63  }
0x107: {  	_ = 	snop  }
0x108: {  	[tilespmem:s11], [sflag:$0x2] =	stream.indirect.gather [hbm4b:s3+s18], $0x80, s22, s18, $0xb8;
	[tilespmem:$0x10200] =	vst v63  }
0x109: {  	_ =	swait.ge [sflag:s23], $0x4000  }
0x10a: {  	[sflag:s23] =	ssyncset.done $0x0  }
0x10b: {  	[sflag:s23] =	ssyncadd.s32 $0xFFFFC000  }
0x10c: {  	_ =	swait.ge [sflag:s23], $0x4000  }
0x10d: {  	[sflag:s23] =	ssyncset.done $0x0  }
0x10e: {  	[sflag:s23] =	ssyncadd.s32 $0xFFFFC000  }
0x10f: {  	[hbm4b:s28+s15] =	stream.strided.scatter [tilespmem:s13], [sflag:$0x3], $0x4000, s16, s15, $0x38;
	[tilespmem:$0x10200] =	vst v63  }
0x110: {  	_ = 	snop  }
0x111: {  	[hbm4b:s29+s15] =	stream.strided.scatter [tilespmem:s14], [sflag:$0x3], $0x4000, s16, s15, $0x38;
	[tilespmem:$0x10200] =	vst v63  }
0x112: {  	_ = 	snop  }
0x113: {  	[tilespmem:s4], [sflag:$0x5] =	stream.linear.gather [hbm4b:s30+s4], $0x80, $0x38;
	[tilespmem:$0x10200] =	vst v63  }
0x114: {  	_ =	swait.ge [sflag:s25], $0x80  }
0x115: {  	[sflag:s25] =	ssyncset.done $0x0  }
0x116: {  	[sflag:s25] =	ssyncadd.s32 $0xFFFFFF80  }
0x117: {  	[tilespmem:s31], [sflag:$0x5] =	stream.linear.gather [hbm4b:s26+s4], $0x80, $0x38;
	[tilespmem:$0x10200] =	vst v63  }
0x118: {  	_ =	swait.ge [sflag:s25], $0x80  }
0x119: {  	[sflag:s25] =	ssyncset.done $0x0  }
0x11a: {  	[sflag:s25] =	ssyncadd.s32 $0xFFFFFF80  }
0x11b: {  	_ =	swait.ge [sflag:s12], $0x4000  }
0x11c: {  	[sflag:s12] =	ssyncset.done $0x0  }
0x11d: {  	[sflag:s12] =	ssyncadd.s32 $0xFFFFC000  }
0x11e: {  	_ =	swait.ge [sflag:s12], $0x4000  }
0x11f: {  	[sflag:s12] =	ssyncset.done $0x0  }
0x120: {  	[sflag:s12] =	ssyncadd.s32 $0xFFFFC000  }
0x121: {  	[tilespmem:s13], [sflag:$0x1] =	stream.indirect.gather [hbm4b:s2+s18], $0x80, s4, s18, $0xb8;
	[tilespmem:$0x10200] =	vst v63  }
0x122: {  	_ = 	snop  }
0x123: {  	[tilespmem:s14], [sflag:$0x1] =	stream.indirect.gather [hbm4b:s3+s18], $0x80, s31, s18, $0xb8;
	[tilespmem:$0x10200] =	vst v63  }
0x124: {  	_ =	swait.ge [sflag:s17], $0x4000  }
0x125: {  	[sflag:s17] =	ssyncset.done $0x0  }
0x126: {  	[sflag:s17] =	ssyncadd.s32 $0xFFFFC000  }
0x127: {  	_ =	swait.ge [sflag:s17], $0x4000  }
0x128: {  	[sflag:s17] =	ssyncset.done $0x0  }
0x129: {  	[sflag:s17] =	ssyncadd.s32 $0xFFFFC000  }
0x12a: {  	[hbm4b:s20+s15] =	stream.strided.scatter [tilespmem:s10], [sflag:$0x4], $0x4000, s16, s15, $0x38;
	[tilespmem:$0x10200] =	vst v63  }
0x12b: {  	_ = 	snop  }
0x12c: {  	[hbm4b:s21+s15] =	stream.strided.scatter [tilespmem:s11], [sflag:$0x4], $0x4000, s16, s15, $0x38;
	[tilespmem:$0x10200] =	vst v63  }
0x12d: {  	_ = 	snop  }
0x12e: {  	[tilespmem:s18], [sflag:$0x5] =	stream.linear.gather [hbm4b:s24+s4], $0x80, $0x38;
	[tilespmem:$0x10200] =	vst v63  }
0x12f: {  	_ =	swait.ge [sflag:s25], $0x80  }
0x130: {  	[sflag:s25] =	ssyncset.done $0x0  }
0x131: {  	[sflag:s25] =	ssyncadd.s32 $0xFFFFFF80  }
0x132: {  	[tilespmem:s22], [sflag:$0x5] =	stream.linear.gather [hbm4b:s19+s4], $0x80, $0x38;
	[tilespmem:$0x10200] =	vst v63  }
0x133: {  	_ =	swait.ge [sflag:s25], $0x80  }
0x134: {  	[sflag:s25] =	ssyncset.done $0x0  }
0x135: {  	[sflag:s25] =	ssyncadd.s32 $0xFFFFFF80  }
0x136: {  	_ =	swait.ge [sflag:s9], $0x4000  }
0x137: {  	[sflag:s9] =	ssyncset.done $0x0  }
0x138: {  	[sflag:s9] =	ssyncadd.s32 $0xFFFFC000  }
0x139: {  	_ =	swait.ge [sflag:s9], $0x4000  }
0x13a: {  	[sflag:s9] =	ssyncset.done $0x0  }
0x13b: {  	[sflag:s9] =	ssyncadd.s32 $0xFFFFC000  }
0x13c: {  	[tilespmem:s10], [sflag:$0x2] =	stream.indirect.gather [hbm4b:s2+s18], $0x80, s18, s18, $0xb8;
	[tilespmem:$0x10200] =	vst v63  }
0x13d: {  	_ = 	snop  }
0x13e: {  	[tilespmem:s11], [sflag:$0x2] =	stream.indirect.gather [hbm4b:s3+s18], $0x80, s22, s18, $0xb8;
	[tilespmem:$0x10200] =	vst v63  }
0x13f: {  	_ =	swait.ge [sflag:s23], $0x4000  }
0x140: {  	[sflag:s23] =	ssyncset.done $0x0  }
0x141: {  	[sflag:s23] =	ssyncadd.s32 $0xFFFFC000  }
0x142: {  	_ =	swait.ge [sflag:s23], $0x4000  }
0x143: {  	[sflag:s23] =	ssyncset.done $0x0  }
0x144: {  	[sflag:s23] =	ssyncadd.s32 $0xFFFFC000  }
0x145: {  	[hbm4b:s7+s15] =	stream.strided.scatter [tilespmem:s13], [sflag:$0x3], $0x4000, s16, s15, $0x38;
	[tilespmem:$0x10200] =	vst v63  }
0x146: {  	_ = 	snop  }
0x147: {  	[hbm4b:s8+s15] =	stream.strided.scatter [tilespmem:s14], [sflag:$0x3], $0x4000, s16, s15, $0x38;
	[tilespmem:$0x10200] =	vst v63  }
0x148: {  	_ =	swait.ge [sflag:s17], $0x4000  }
0x149: {  	[sflag:s17] =	ssyncset.done $0x0  }
0x14a: {  	[sflag:s17] =	ssyncadd.s32 $0xFFFFC000  }
0x14b: {  	_ =	swait.ge [sflag:s17], $0x4000  }
0x14c: {  	[sflag:s17] =	ssyncset.done $0x0  }
0x14d: {  	[sflag:s17] =	ssyncadd.s32 $0xFFFFC000  }
0x14e: {  	[hbm4b:s5+s15] =	stream.strided.scatter [tilespmem:s10], [sflag:$0x4], $0x4000, s16, s15, $0x38;
	[tilespmem:$0x10200] =	vst v63  }
0x14f: {  	_ = 	snop  }
0x150: {  	[hbm4b:s6+s15] =	stream.strided.scatter [tilespmem:s11], [sflag:$0x4], $0x4000, s16, s15, $0x38;
	[tilespmem:$0x10200] =	vst v63  }
0x151: {  	_ =	swait.ge [sflag:s12], $0x4000  }
0x152: {  	[sflag:s12] =	ssyncset.done $0x0  }
0x153: {  	[sflag:s12] =	ssyncadd.s32 $0xFFFFC000  }
0x154: {  	_ =	swait.ge [sflag:s12], $0x4000  }
0x155: {  	[sflag:s12] =	ssyncset.done $0x0  }
0x156: {  	[sflag:s12] =	ssyncadd.s32 $0xFFFFC000  }
0x157: {  	_ =	swait.ge [sflag:s9], $0x4000  }
0x158: {  	[sflag:s9] =	ssyncset.done $0x0  }
0x159: {  	[sflag:s9] =	ssyncadd.s32 $0xFFFFC000  }
0x15a: {  	_ =	swait.ge [sflag:s9], $0x4000  }
0x15b: {  	[sflag:s9] =	ssyncset.done $0x0  }
0x15c: {  	[sflag:s9] =	ssyncadd.s32 $0xFFFFC000  }
0x15d: {  	_ =	sfence.sel $0x180000  }
0x15e: {  	[bflag:$0x0] =	sbarrier.arrive $0xFFFF  }
0x15f: {  	_ =	strace $0x90000047  }
0x160: {  	s31 =	stileid.u32;
	[bflag:$0x2] =	sbarrier.arrive $0xFFFF  }
0x161: {  	p0 =	sne.s32 s31, $0x0;
	s0 =	rddreg [dreg:$0x5]  }
0x162: {  	s0 =	sadd.s32 @!p0 $0x100000, s0  }
0x163: {  	[sflag:s0] =	ssyncadd.tile.s32 @!p0 $0x1;
	_ =	shalt  }
.Lfunc_end2:
_tile_overlayer_lowered:
.L_overlay_start_2:
0x164: {  	(tag) =	ssettag $0x2  }
0x165: {  	s0 =	rddreg [dreg:$0x0];
	s2 =	stileid.u32  }
0x166: {  	s1 =	rddreg [dreg:$0x1];
	p0 =	sne.s32 s2, $0x0  }
0x167: {  	s3 =	rddreg [dreg:$0x2];
	[bflag:$0x3] =	sbarrier.arrive $0xFFFF;
	s2 =	simm.s32 @!p0 $0x1C05  }
0x168: {  	[timem:s3], [sflag:s2] =	dma.local @!p0 [hbm:s0], s1  }
0x169: {  	s0 =	simm.s32 @!p0 $0x5  }
0x16a: {  	_ =	swait.ge @!p0 [sflag:s0], s1  }
0x16b: {  	s1 =	ssub.s32 @!p0 $0x0, s1;
	[sflag:s0] =	ssyncset.done @!p0 $0x0  }
0x16c: {  	[sflag:s0] =	ssyncadd.s32 @!p0 s1  }
0x16d: {  	[bflag:$0x3] =	sbarrier.arrive $0xFFFF  }
0x16e: {  	_ =	shalt  }

// kernel: kernel.9.cloned.1.call-start
scs
__scs_entry_jumppad:
0x0: {  	(pc) =	sbr.rel $0x88, $3  }
0x1: {  	(tag) =	ssettag $0x0;
	lr =	simm.s32 $0x1  }
0x2: {  	[smem:$0x3F8D] =	sst lr;
	_ =	strace $0xD0000000  }
0x3: {  	_ = 	snop  }
0x4: {  	_ = 	snop  }
0x5: {  	_ = 	snop  }
0x6: {  	_ = 	snop  }
0x7: {  	_ = 	snop  }
__scs_overlays_trampoline_lowered:
0x8: {  	[smem:$0x3F9C] =	sst s0  }
0x9: {  	[smem:$0x3F9D] =	sst s1  }
0xa: {  	[smem:$0x3F9E] =	sst s2  }
0xb: {  	[smem:$0x3F9F] =	sst s3  }
0xc: {  	[smem:$0x3FA0] =	sst s4  }
0xd: {  	[smem:$0x3FA1] =	sst s5  }
0xe: {  	[smem:$0x3FA2] =	sst s6  }
0xf: {  	[smem:$0x3FA3] =	sst s7  }
0x10: {  	[smem:$0x3FA4] =	sst s8  }
0x11: {  	[smem:$0x3FA5] =	sst s9;
	s0 =	simm.s32 @!p0 $0x0  }
0x12: {  	s1 =	sld [smem:$0x3F8B];
	s0 =	simm.s32 @p0 $0x1  }
0x13: {  	[smem:$0x3FA6] =	sst s0;
	s0 =	simm.s32 @!p1 $0x0  }
0x14: {  	s2 =	sld [smem:$0x3F8A];
	s0 =	simm.s32 @p1 $0x1  }
0x15: {  	[smem:$0x3FA7] =	sst s0;
	s0 =	simm.s32 @!p2 $0x0  }
0x16: {  	s3 =	sld [smem:$0x3FDB];
	s0 =	simm.s32 @p2 $0x1  }
0x17: {  	s4 =	simm.s32 $0x1BF5;
	[smem:$0x3FA9] =	sst s0  }
0x18: {  	s0 =	sld [smem:$0x3F8C];
	_ =	swait.ge [sflag:s4], $0x0  }
0x19: {  	s7 =	sld [smem:$0x3F8D]  }
0x1a: {  	s8 =	sadd.s32 $0xFFFFE003, lr  }
0x1b: {  	s9 =	sadd.s32 $0xFFFFFEF7, lr;
	s5 =	simm.s32 $0xFFFFFFFF;
	p2 =	slt.u32 s8, $0xFFFFF086  }
0x1c: {  	p1 =	slt.u32 s9, $0xF7A;
	s5 =	simm.s32 @!p2 $0x0  }
0x1d: {  	s5 =	simm.s32 @p1 $0x1;
	p0 =	seq.s32 s7, s2  }
0x1e: {  	s7 =	smul.u32 @!p0 $0xF7A, s2;
	p2 =	seq.s32 @!p0 s5, $0x0  }
0x1f: {  	s9 =	smul.u32 $0xF7A, s1;
	s8 =	simm.s32 @!p0 $0x1BF5;
	p2 =	por !p2, p0  }
0x20: {  	[sflag:s8] =	ssyncset.s32 @!p0 $0xFFFFF086;
	s6 =	sadd.s32 @!p0 s3, s7;
	s7 =	simm.s32 @!p0 $0x108  }
0x21: {  	s3 =	sadd.s32 s3, s9;
	s6 =	sadd.s32 @!p0 $0x88, s6;
	s7 =	simm.s32 @p2 $0x1082  }
0x22: {  	[simem:s7], [sflag:s8] =	dma.local @!p0 [hbm:s6], $0xF7A  }
0x23: {  	s9 =	sor.u32 $0xD0000000, s2;
	s6 =	simm.s32 $0x108;
	_ =	swait.ge @!p0 [sflag:s8], $0x0  }
0x24: {  	s3 =	sadd.s32 $0x88, s3;
	s6 =	simm.s32 @!p1 $0x1082;
	[sflag:s4] =	ssyncset.s32 $0xFFFFF086  }
0x25: {  	[simem:s6], [sflag:s4] =	dma.local [hbm:s3], $0xF7A  }
0x26: {  	[smem:$0x3F8D] =	sst s1;
	(tag) =	ssettag s2;
	_ =	strace s9  }
0x27: {  	s1 =	sld [smem:$0x3F9D]  }
0x28: {  	s2 =	sld [smem:$0x3F9E]  }
0x29: {  	s4 =	sld [smem:$0x3FA0]  }
0x2a: {  	p0 =	seq.s32 s5, $0x0;
	s5 =	sld [smem:$0x3FA1]  }
0x2b: {  	s6 =	sld [smem:$0x3FA2]  }
0x2c: {  	s7 =	sld [smem:$0x3FA3]  }
0x2d: {  	s3 =	simm.s32 $0x108;
	s8 =	sld [smem:$0x3FA4]  }
0x2e: {  	s3 =	simm.s32 @!p0 $0x1082;
	s9 =	sld [smem:$0x3FA5]  }
0x2f: {  	lr =	sadd.s32 s0, s3;
	s0 =	sld [smem:$0x3F9C]  }
0x30: {  	s3 =	sld [smem:$0x3F9F]  }
0x31: {  	[smem:$0x3FA8] =	sst s10  }
0x32: {  	s10 =	sld [smem:$0x3FA6];
	_ =	sdelay $0x3  }
0x33: {  	p0 =	seq.s32 s10, $0x1;
	s10 =	sld [smem:$0x3FA8];
	_ =	sdelay $0x3  }
0x34: {  	[smem:$0x3FA8] =	sst s10  }
0x35: {  	s10 =	sld [smem:$0x3FA7];
	_ =	sdelay $0x3  }
0x36: {  	p1 =	seq.s32 s10, $0x1;
	s10 =	sld [smem:$0x3FA8];
	_ =	sdelay $0x3  }
0x37: {  	[smem:$0x3FA8] =	sst s10  }
0x38: {  	s10 =	sld [smem:$0x3FA9]  }
0x39: {  	_ = 	snop;
	(pc) =	sbr.ind lr, $3  }
0x3a: {  	_ = 	snop  }
0x3b: {  	_ = 	snop  }
0x3c: {  	p2 =	seq.s32 s10, $0x1;
	s10 =	sld [smem:$0x3FA8]  }
0x3d: {  	_ =	shalt  }
0x3e: {  	_ =	shalt  }
0x3f: {  	_ =	shalt  }
0x40: {  	_ =	shalt  }
0x41: {  	_ =	shalt  }
0x42: {  	_ =	shalt  }
0x43: {  	_ =	shalt  }
0x44: {  	_ =	shalt  }
0x45: {  	_ =	shalt  }
0x46: {  	_ =	shalt  }
0x47: {  	_ =	shalt  }
0x48: {  	_ =	shalt  }
0x49: {  	_ =	shalt  }
0x4a: {  	_ =	shalt  }
0x4b: {  	_ =	shalt  }
0x4c: {  	_ =	shalt  }
0x4d: {  	_ =	shalt  }
0x4e: {  	_ =	shalt  }
0x4f: {  	_ =	shalt  }
0x50: {  	_ =	shalt  }
0x51: {  	_ =	shalt  }
0x52: {  	_ =	shalt  }
0x53: {  	_ =	shalt  }
0x54: {  	_ =	shalt  }
0x55: {  	_ =	shalt  }
0x56: {  	_ =	shalt  }
0x57: {  	_ =	shalt  }
0x58: {  	_ =	shalt  }
0x59: {  	_ =	shalt  }
0x5a: {  	_ =	shalt  }
0x5b: {  	_ =	shalt  }
0x5c: {  	_ =	shalt  }
0x5d: {  	_ =	shalt  }
0x5e: {  	_ =	shalt  }
0x5f: {  	_ =	shalt  }
0x60: {  	_ =	shalt  }
0x61: {  	_ =	shalt  }
0x62: {  	_ =	shalt  }
0x63: {  	_ =	shalt  }
0x64: {  	_ =	shalt  }
0x65: {  	_ =	shalt  }
0x66: {  	_ =	shalt  }
0x67: {  	_ =	shalt  }
0x68: {  	_ =	shalt  }
0x69: {  	_ =	shalt  }
0x6a: {  	_ =	shalt  }
0x6b: {  	_ =	shalt  }
0x6c: {  	_ =	shalt  }
0x6d: {  	_ =	shalt  }
0x6e: {  	_ =	shalt  }
0x6f: {  	_ =	shalt  }
0x70: {  	_ =	shalt  }
0x71: {  	_ =	shalt  }
0x72: {  	_ =	shalt  }
0x73: {  	_ =	shalt  }
0x74: {  	_ =	shalt  }
0x75: {  	_ =	shalt  }
0x76: {  	_ =	shalt  }
0x77: {  	_ =	shalt  }
0x78: {  	_ =	shalt  }
0x79: {  	_ =	shalt  }
0x7a: {  	_ =	shalt  }
0x7b: {  	_ =	shalt  }
0x7c: {  	_ =	shalt  }
0x7d: {  	_ =	shalt  }
0x7e: {  	_ =	shalt  }
0x7f: {  	_ =	shalt  }
0x80: {  	_ =	shalt  }
0x81: {  	_ =	shalt  }
0x82: {  	_ =	shalt  }
0x83: {  	_ =	shalt  }
0x84: {  	_ =	shalt  }
0x85: {  	_ =	shalt  }
0x86: {  	_ =	shalt  }
0x87: {  	_ =	shalt  }
.Lfunc_end0:
.L_simem_size_0:
called_computation.1_lowered:
.L_overlay_start_0:
0x88: {  	s2 =	sld [smem:$0x3FD9]  }
0x89: {  	s3 =	sld [smem:$0x3FFE];
	_ =	sdelay $0x1  }
0x8a: {  	s1 =	srdreg.scid  }
0x8b: {  	s0 =	sand.u32 $0x1, s1  }
0x8c: {  	s17 =	sshll.u32 s0, $0xA;
	s2 =	sadd.s32 s3, s2  }
0x8d: {  	s2 =	sadd.s32 s2, s17  }
0x8e: {  	[smem:$0x3FB4] =	sst s2  }
0x8f: {  	_ = 	snop  }
0x90: {  	s18 =	sld [smem:$0x3FC9]  }
0x91: {  	s4 =	sld [smem:$0x3FC8]  }
0x92: {  	s5 =	sld [smem:$0x3FC7]  }
0x93: {  	s6 =	sld [smem:$0x3FC6];
	(tm) =	ssettm $0x1  }
0x94: {  	s19 =	sld [smem:$0x3FFB];
	_ =	sdelay $0x3  }
0x95: {  	_ =	strace s19  }
0x96: {  	s2 =	sld [smem:$0x3FFC];
	_ =	sdelay $0x3  }
0x97: {  	_ =	strace s2  }
0x98: {  	s2 =	sld [smem:$0x3FFD];
	_ =	sdelay $0x3  }
0x99: {  	_ =	strace s2  }
0x9a: {  	_ =	strace $0x8FFFFFFF  }
0x9b: {  	s20 =	sld [smem:$0x3FDB];
	_ =	sdelay $0x1  }
0x9c: {  	s7 =	simm.s32 $_scs_section_size  }
0x9d: {  	s8 =	simm.s32 $_size__tile_overlayer_lowered;
	s9 =	simm.s32 $_tile_overlayer_lowered  }
0x9e: {  	s10 =	simm.s32 $0x1BFF;
	s21 =	sshll.u32 s9, $0x1;
	s7 =	sadd.s32 s7, s20  }
0x9f: {  	s22 =	simm.s32 $0x0;
	s8 =	sshll.u32 s8, $0x1;
	s9 =	sadd.s32 s21, s7  }
0xa0: {  	[timem:s22], [sflag:s10] =	dma.local [hbm:s9], s8  }
0xa1: {  	_ =	swait.ge [sflag:s10], s8  }
0xa2: {  	s8 =	ssub.s32 $0x0, s8;
	[sflag:s10] =	ssyncset.done $0x0  }
0xa3: {  	[sflag:s10] =	ssyncadd.s32 s8;
	_ =	sdelay $0x1  }
0xa4: {  	s23 =	simm.s32 $0x1B8B  }
0xa5: {  	_ =	swait.ge [sflag:s23], $0x1  }
0xa6: {  	[sflag:s23] =	ssyncset.done $0x0  }
0xa7: {  	[sflag:s23] =	ssyncadd.s32 $0xFFFFFFFF  }
0xa8: {  	s8 =	sld [smem:$0x0]  }
0xa9: {  	s9 =	sand.u32 $0xFFFFFFFE, s1  }
0xaa: {  	p0 =	sne.s32 s1, s9  }
0xab: {  	s9 =	sshll.u32 @p0 s9, $0xE  }
0xac: {  	s9 =	sadd.s32 @p0 $0x11B8D, s9;
	s10 =	sshll.u32 @p0 s8, $0x11  }
0xad: {  	s9 =	sor.u32 @p0 s10, s9  }
0xae: {  	[sflag:s9] =	ssyncadd.remote.s32 @p0 $0x1;
	_ =	sdelay $0x1  }
0xaf: {  	s9 =	simm.s32 @p0 $0x1B8D  }
0xb0: {  	_ =	swait.eq @p0 [sflag:s9], $0x1  }
0xb1: {  	[sflag:s9] =	ssyncadd.s32 @p0 $0xFFFFFFFF  }
0xb2: {  	s10 =	sshll.u32 @!p0 s1, $0xE  }
0xb3: {  	s10 =	sor.u32 @!p0 $0x4000, s10;
	s9 =	simm.s32 @!p0 $0x1B8D  }
0xb4: {  	s8 =	sshll.u32 @!p0 s8, $0x11;
	s10 =	sadd.s32 @!p0 $0x11B8D, s10;
	_ =	swait.eq @!p0 [sflag:s9], $0x1  }
0xb5: {  	s8 =	sor.u32 @!p0 s8, s10;
	[sflag:s9] =	ssyncadd.s32 @!p0 $0xFFFFFFFF  }
0xb6: {  	s25 =	simm.s32 $0x1B8E;
	s24 =	sld [smem:$0x3FFE];
	[sflag:s8] =	ssyncadd.remote.s32 @!p0 $0x1  }
0xb7: {  	s26 =	simm.s32 $execute0_lowered;
	[smem:$0x3FD2] =	sst s25  }
0xb8: {  	s9 =	sshll.u32 s26, $0x1;
	_ =	strace $0x80000049;
	[dreg:$0x1] =	wrdreg $0xFFFFFFFF  }
0xb9: {  	s28 =	simm.s32 $_size_execute0_lowered;
	s7 =	sadd.s32 s7, s9;
	[dreg:$0x0] =	wrdreg $0x0  }
0xba: {  	s9 =	sshll.u32 s28, $0x1;
	[dreg:$0x2] =	wrdreg s7  }
0xbb: {  	[dreg:$0x3] =	wrdreg s9  }
0xbc: {  	[dreg:$0x4] =	wrdreg $0xC0  }
0xbd: {  	_ =	task [dreg:s22], $0x5FFFF  }
0xbe: {  	[dreg:$0x1] =	wrdreg $0xFFFFFFFF  }
0xbf: {  	[dreg:$0x0] =	wrdreg $0x60  }
0xc0: {  	[dreg:$0x2] =	wrdreg s18  }
0xc1: {  	[dreg:$0x3] =	wrdreg s4  }
0xc2: {  	[dreg:$0x4] =	wrdreg s5  }
0xc3: {  	[dreg:$0x5] =	wrdreg s6  }
0xc4: {  	[dreg:$0x6] =	wrdreg s24  }
0xc5: {  	[dreg:$0x7] =	wrdreg $0xA  }
0xc6: {  	_ =	task.clear_ibuf [dreg:s22], $0x8FFFF;
	_ =	strace $0x90000049  }
0xc7: {  	s29 =	simm.s32 $0xA;
	_ =	strace $0x8000004B  }
0xc8: {  	_ =	swait.ge [sflag:s29], $0x1  }
0xc9: {  	[sflag:s29] =	ssyncadd.s32 $0xFFFFFFFF  }
0xca: {  	_ =	strace $0x9000004B  }
0xcb: {  	_ =	sfence  }
0xcc: {  	s30 =	sld [smem:$0x0];
	_ =	sdelay $0x2  }
0xcd: {  	s31 =	sshll.u32 s1, $0xD;
	s1 =	sshrl.u32 s1, $0x2  }
0xce: {  	s4 =	sand.u32 $0x4000, s31;
	s1 =	sadd.s32 s1, s30  }
0xcf: {  	s0 =	sor.u32 s4, s0;
	s1 =	sshll.u32 s1, $0x11  }
0xd0: {  	s0 =	sor.u32 s1, s0  }
0xd1: {  	s0 =	sadd.s32 $0x8F2B, s0  }
0xd2: {  	[sflag:s0] =	ssyncadd.remote.s32 $0x1  }
0xd3: {  	_ =	sfence.sel $0xFFFF  }
0xd4: {  	[dreg:$0x0] =	wrdreg $0xFFFFFFFF;
	(pc) =	sbr.abs _section_cstart, $3  }
0xd5: {  	[dreg:$0x1] =	wrdreg $0xFFFFFFFF  }
0xd6: {  	_ =	task.clear_ibuf [dreg:s22], $0x2FFFF;
	_ =	strace $0x9FFFFFFF  }
0xd7: {  	(tm) =	ssettm $0x7FFFFFFF  }
tec
execute0_lowered:
.L_overlay_start_1:
0x0: {  	(tag) =	ssettag $0x1  }
0x1: {  	s0 =	rddreg [dreg:$0x0]  }
0x2: {  	s1 =	rddreg [dreg:$0x1]  }
0x3: {  	s2 =	rddreg [dreg:$0x2]  }
0x4: {  	s3 =	rddreg [dreg:$0x3]  }
0x5: {  	s5 =	rddreg [dreg:$0x4]  }
0x6: {  	s4 =	srdreg.scid;
	s7 =	stileid.u32  }
0x7: {  	s31 =	simm.s32 $0x100;
	p0 =	por $0x0, $0x0;
	s6 =	sand.u32 $0x1, s4  }
0x8: {  	s4 =	simm.s32 $0x0;
	s7 =	sshll.u32 s7, $0xA;
	s9 =	sadd.s32 $0x82800, s5  }
0x9: {  	s13 =	sadd.s32 $0x82880, s5;
	s8 =	sshll.u32 s6, $0x9;
	[smem:$0x7FF] =	sst s4  }
0xa: {  	s6 =	ssub.s32 $0x2, s6;
	s7 =	sor.u32 s8, s7;
	_ =	strace $0x8000004A  }
0xb: {  	s12 =	sshrl.u32 s6, $0x1;
	s8 =	sshrl.u32 s7, $0x3;
	s11 =	sor.u32 $0x80, s7  }
0xc: {  	s23 =	ssub.s32 s6, s12;
	s25 =	sor.u32 $0x100, s7;
	s12 =	sshll.u32 s7, $0x5  }
0xd: {  	s16 =	sor.u32 $0x180, s7;
	s10 =	sadd.s32 s0, s8;
	s8 =	sadd.s32 s1, s8  }
0xe: {  	s20 =	sshrl.u32 s11, $0x3;
	s14 =	sshrl.u32 s25, $0x3;
	s28 =	sadd.s32 s9, s12  }
0xf: {  	s29 =	sadd.s32 s12, s13;
	s15 =	sshll.u32 s11, $0x5;
	s17 =	sshrl.u32 s16, $0x3  }
0x10: {  	s18 =	sshll.u32 s25, $0x5;
	s23 =	smax.u32 s23, $0x1;
	s25 =	simm.s32 $0x5  }
0x11: {  	s11 =	simm.s32 $0xC200;
	s12 =	simm.s32 $0x3;
	[dreg:$0x6] =	wrdreg s10  }
0x12: {  	[dreg:$0x7] =	wrdreg s8;
	s21 =	sadd.s32 s0, s20;
	s22 =	sadd.s32 s1, s20  }
0x13: {  	s30 =	sadd.s32 s0, s14;
	s26 =	sadd.s32 s1, s14;
	s20 =	sadd.s32 s9, s15  }
0x14: {  	s24 =	sadd.s32 s0, s17;
	s19 =	sadd.s32 s1, s17;
	s7 =	sadd.s32 s9, s18  }
0x15: {  	s8 =	sadd.s32 s18, s13;
	s18 =	simm.s32 $0x80;
	s14 =	simm.s32 $0x4200  }
0x16: {  	s10 =	simm.s32 $0x8200;
	p1 =	sne.s32 s23, $0x1;
	s0 =	sadd.s32 $0xFFFFFFFF, s23  }
.Ltmp0:
0x17: {  	s23 =	simm.s32 $0x1;
	[dreg:$0x8] =	wrdreg s21;
	(pc) =	sbr.rel @!p1 .LBB2_3-.Ltmp0, $4  }
0x18: {  	s17 =	simm.s32 $0x2;
	[dreg:$0x9] =	wrdreg s22;
	s21 =	sadd.s32 s15, s13  }
0x19: {  	s22 =	sshll.u32 s16, $0x5;
	s15 =	simm.s32 $0x400;
	s16 =	simm.s32 $0x800  }
0x1a: {  	s1 =	rddreg [dreg:$0x6];
	s5 =	sadd.s32 s9, s22;
	s6 =	sadd.s32 s22, s13  }
0x1b: {  	s13 =	simm.s32 $0x200;
	s22 =	simm.s32 $0x180;
	s9 =	simm.s32 $0x4  }
0x1c: {  	[tilespmem:s4], [sflag:$0x5] =	stream.linear.gather [hbm4b:s1+s4], $0x80, $0x38;
	[tilespmem:$0x10200] =	vst v63  }
0x1d: {  	_ =	swait.ge [sflag:s25], $0x80  }
0x1e: {  	[sflag:s25] =	ssyncset.done $0x0  }
0x1f: {  	s1 =	rddreg [dreg:$0x7];
	[sflag:s25] =	ssyncadd.s32 $0xFFFFFF80  }
0x20: {  	[tilespmem:s31], [sflag:$0x5] =	stream.linear.gather [hbm4b:s1+s4], $0x80, $0x38;
	[tilespmem:$0x10200] =	vst v63  }
0x21: {  	_ =	swait.ge [sflag:s25], $0x80  }
0x22: {  	[sflag:s25] =	ssyncset.done $0x0  }
0x23: {  	[sflag:s25] =	ssyncadd.s32 $0xFFFFFF80  }
0x24: {  	[tilespmem:s13], [sflag:$0x1] =	stream.indirect.gather [hbm4b:s2+s18], $0x80, s4, s18, $0xb8;
	[tilespmem:$0x10200] =	vst v63  }
0x25: {  	_ = 	snop  }
0x26: {  	[tilespmem:s14], [sflag:$0x1] =	stream.indirect.gather [hbm4b:s3+s18], $0x80, s31, s18, $0xb8;
	[tilespmem:$0x10200] =	vst v63  }
0x27: {  	s1 =	rddreg [dreg:$0x8]  }
0x28: {  	[tilespmem:s18], [sflag:$0x5] =	stream.linear.gather [hbm4b:s1+s4], $0x80, $0x38;
	[tilespmem:$0x10200] =	vst v63  }
0x29: {  	_ =	swait.ge [sflag:s25], $0x80  }
0x2a: {  	[sflag:s25] =	ssyncset.done $0x0  }
0x2b: {  	s1 =	rddreg [dreg:$0x9];
	[sflag:s25] =	ssyncadd.s32 $0xFFFFFF80  }
0x2c: {  	[tilespmem:s22], [sflag:$0x5] =	stream.linear.gather [hbm4b:s1+s4], $0x80, $0x38;
	[tilespmem:$0x10200] =	vst v63  }
0x2d: {  	_ =	swait.ge [sflag:s25], $0x80  }
0x2e: {  	[sflag:s25] =	ssyncset.done $0x0  }
0x2f: {  	[sflag:s25] =	ssyncadd.s32 $0xFFFFFF80  }
0x30: {  	[tilespmem:s10], [sflag:$0x2] =	stream.indirect.gather [hbm4b:s2+s18], $0x80, s18, s18, $0xb8;
	[tilespmem:$0x10200] =	vst v63  }
0x31: {  	_ = 	snop  }
0x32: {  	[tilespmem:s11], [sflag:$0x2] =	stream.indirect.gather [hbm4b:s3+s18], $0x80, s22, s18, $0xb8;
	[tilespmem:$0x10200] =	vst v63  }
0x33: {  	_ =	swait.ge [sflag:s23], $0x4000  }
0x34: {  	[sflag:s23] =	ssyncset.done $0x0  }
0x35: {  	[sflag:s23] =	ssyncadd.s32 $0xFFFFC000  }
0x36: {  	_ =	swait.ge [sflag:s23], $0x4000  }
0x37: {  	[sflag:s23] =	ssyncset.done $0x0  }
0x38: {  	[sflag:s23] =	ssyncadd.s32 $0xFFFFC000  }
0x39: {  	[hbm4b:s28+s15] =	stream.strided.scatter [tilespmem:s13], [sflag:$0x3], $0x4000, s16, s15, $0x38;
	[tilespmem:$0x10200] =	vst v63  }
0x3a: {  	_ = 	snop  }
0x3b: {  	[hbm4b:s29+s15] =	stream.strided.scatter [tilespmem:s14], [sflag:$0x3], $0x4000, s16, s15, $0x38;
	[tilespmem:$0x10200] =	vst v63  }
0x3c: {  	_ = 	snop  }
0x3d: {  	[tilespmem:s4], [sflag:$0x5] =	stream.linear.gather [hbm4b:s30+s4], $0x80, $0x38;
	[tilespmem:$0x10200] =	vst v63  }
0x3e: {  	_ =	swait.ge [sflag:s25], $0x80  }
0x3f: {  	[sflag:s25] =	ssyncset.done $0x0  }
0x40: {  	[sflag:s25] =	ssyncadd.s32 $0xFFFFFF80  }
0x41: {  	[tilespmem:s31], [sflag:$0x5] =	stream.linear.gather [hbm4b:s26+s4], $0x80, $0x38;
	[tilespmem:$0x10200] =	vst v63  }
0x42: {  	_ =	swait.ge [sflag:s25], $0x80  }
0x43: {  	[sflag:s25] =	ssyncset.done $0x0  }
0x44: {  	[sflag:s25] =	ssyncadd.s32 $0xFFFFFF80  }
0x45: {  	_ =	swait.ge [sflag:s12], $0x4000  }
0x46: {  	[sflag:s12] =	ssyncset.done $0x0  }
0x47: {  	[sflag:s12] =	ssyncadd.s32 $0xFFFFC000  }
0x48: {  	_ =	swait.ge [sflag:s12], $0x4000  }
0x49: {  	[sflag:s12] =	ssyncset.done $0x0  }
0x4a: {  	[sflag:s12] =	ssyncadd.s32 $0xFFFFC000  }
0x4b: {  	[tilespmem:s13], [sflag:$0x1] =	stream.indirect.gather [hbm4b:s2+s18], $0x80, s4, s18, $0xb8;
	[tilespmem:$0x10200] =	vst v63  }
0x4c: {  	_ = 	snop  }
0x4d: {  	[tilespmem:s14], [sflag:$0x1] =	stream.indirect.gather [hbm4b:s3+s18], $0x80, s31, s18, $0xb8;
	[tilespmem:$0x10200] =	vst v63  }
0x4e: {  	_ =	swait.ge [sflag:s17], $0x4000  }
0x4f: {  	[sflag:s17] =	ssyncset.done $0x0  }
0x50: {  	[sflag:s17] =	ssyncadd.s32 $0xFFFFC000  }
0x51: {  	_ =	swait.ge [sflag:s17], $0x4000  }
0x52: {  	[sflag:s17] =	ssyncset.done $0x0  }
0x53: {  	[sflag:s17] =	ssyncadd.s32 $0xFFFFC000  }
0x54: {  	[hbm4b:s20+s15] =	stream.strided.scatter [tilespmem:s10], [sflag:$0x4], $0x4000, s16, s15, $0x38;
	[tilespmem:$0x10200] =	vst v63  }
0x55: {  	_ = 	snop  }
0x56: {  	[hbm4b:s21+s15] =	stream.strided.scatter [tilespmem:s11], [sflag:$0x4], $0x4000, s16, s15, $0x38;
	[tilespmem:$0x10200] =	vst v63  }
0x57: {  	_ = 	snop  }
0x58: {  	[tilespmem:s18], [sflag:$0x5] =	stream.linear.gather [hbm4b:s24+s4], $0x80, $0x38;
	[tilespmem:$0x10200] =	vst v63  }
0x59: {  	_ =	swait.ge [sflag:s25], $0x80  }
0x5a: {  	[sflag:s25] =	ssyncset.done $0x0  }
0x5b: {  	[sflag:s25] =	ssyncadd.s32 $0xFFFFFF80  }
0x5c: {  	[tilespmem:s22], [sflag:$0x5] =	stream.linear.gather [hbm4b:s19+s4], $0x80, $0x38;
	[tilespmem:$0x10200] =	vst v63  }
0x5d: {  	_ =	swait.ge [sflag:s25], $0x80  }
0x5e: {  	[sflag:s25] =	ssyncset.done $0x0  }
0x5f: {  	[sflag:s25] =	ssyncadd.s32 $0xFFFFFF80  }
0x60: {  	_ =	swait.ge [sflag:s9], $0x4000  }
0x61: {  	[sflag:s9] =	ssyncset.done $0x0  }
0x62: {  	[sflag:s9] =	ssyncadd.s32 $0xFFFFC000  }
0x63: {  	_ =	swait.ge [sflag:s9], $0x4000  }
0x64: {  	[sflag:s9] =	ssyncset.done $0x0  }
0x65: {  	[sflag:s9] =	ssyncadd.s32 $0xFFFFC000  }
0x66: {  	[tilespmem:s10], [sflag:$0x2] =	stream.indirect.gather [hbm4b:s2+s18], $0x80, s18, s18, $0xb8;
	[tilespmem:$0x10200] =	vst v63  }
0x67: {  	_ = 	snop  }
0x68: {  	[tilespmem:s11], [sflag:$0x2] =	stream.indirect.gather [hbm4b:s3+s18], $0x80, s22, s18, $0xb8;
	[tilespmem:$0x10200] =	vst v63  }
0x69: {  	_ =	swait.ge [sflag:s23], $0x4000  }
0x6a: {  	[sflag:s23] =	ssyncset.done $0x0  }
0x6b: {  	[sflag:s23] =	ssyncadd.s32 $0xFFFFC000  }
0x6c: {  	_ =	swait.ge [sflag:s23], $0x4000  }
0x6d: {  	[sflag:s23] =	ssyncset.done $0x0  }
0x6e: {  	[sflag:s23] =	ssyncadd.s32 $0xFFFFC000  }
0x6f: {  	[hbm4b:s7+s15] =	stream.strided.scatter [tilespmem:s13], [sflag:$0x3], $0x4000, s16, s15, $0x38;
	[tilespmem:$0x10200] =	vst v63  }
0x70: {  	_ = 	snop  }
0x71: {  	[hbm4b:s8+s15] =	stream.strided.scatter [tilespmem:s14], [sflag:$0x3], $0x4000, s16, s15, $0x38;
	[tilespmem:$0x10200] =	vst v63  }
0x72: {  	_ =	swait.ge [sflag:s17], $0x4000  }
0x73: {  	[sflag:s17] =	ssyncset.done $0x0  }
0x74: {  	[sflag:s17] =	ssyncadd.s32 $0xFFFFC000  }
0x75: {  	_ =	swait.ge [sflag:s17], $0x4000  }
0x76: {  	[sflag:s17] =	ssyncset.done $0x0  }
0x77: {  	[sflag:s17] =	ssyncadd.s32 $0xFFFFC000  }
0x78: {  	[hbm4b:s5+s15] =	stream.strided.scatter [tilespmem:s10], [sflag:$0x4], $0x4000, s16, s15, $0x38;
	[tilespmem:$0x10200] =	vst v63  }
0x79: {  	_ = 	snop  }
0x7a: {  	[hbm4b:s6+s15] =	stream.strided.scatter [tilespmem:s11], [sflag:$0x4], $0x4000, s16, s15, $0x38;
	[tilespmem:$0x10200] =	vst v63  }
0x7b: {  	_ =	swait.ge [sflag:s12], $0x4000  }
0x7c: {  	[sflag:s12] =	ssyncset.done $0x0  }
0x7d: {  	[sflag:s12] =	ssyncadd.s32 $0xFFFFC000  }
0x7e: {  	_ =	swait.ge [sflag:s12], $0x4000  }
0x7f: {  	[sflag:s12] =	ssyncset.done $0x0  }
0x80: {  	p1 =	sne.s32 s0, $0x1;
	[sflag:s12] =	ssyncadd.s32 $0xFFFFC000  }
.Ltmp1:
0x81: {  	_ =	swait.ge [sflag:s9], $0x4000;
	(pc) =	sbr.rel @!p1 .LBB2_3-.Ltmp1, $4  }
0x82: {  	[sflag:s9] =	ssyncset.done $0x0  }
0x83: {  	[sflag:s9] =	ssyncadd.s32 $0xFFFFC000  }
0x84: {  	s0 =	sadd.s32 $0xFFFFFFFF, s0;
	_ =	swait.ge [sflag:s9], $0x4000  }
0x85: {  	p0 =	por $0x1, $0x1;
	s1 =	rddreg [dreg:$0x6];
	[sflag:s9] =	ssyncset.done $0x0  }
.LBB2_2:
0x86: {  	[sflag:s9] =	ssyncadd.s32 $0xFFFFC000  }
0x87: {  	[tilespmem:s4], [sflag:$0x5] =	stream.linear.gather [hbm4b:s1+s4], $0x80, $0x38;
	[tilespmem:$0x10200] =	vst v63  }
0x88: {  	_ =	swait.ge [sflag:s25], $0x80  }
0x89: {  	[sflag:s25] =	ssyncset.done $0x0  }
0x8a: {  	s1 =	rddreg [dreg:$0x7];
	[sflag:s25] =	ssyncadd.s32 $0xFFFFFF80  }
0x8b: {  	[tilespmem:s31], [sflag:$0x5] =	stream.linear.gather [hbm4b:s1+s4], $0x80, $0x38;
	[tilespmem:$0x10200] =	vst v63  }
0x8c: {  	_ =	swait.ge [sflag:s25], $0x80  }
0x8d: {  	[sflag:s25] =	ssyncset.done $0x0  }
0x8e: {  	[sflag:s25] =	ssyncadd.s32 $0xFFFFFF80  }
0x8f: {  	[tilespmem:s13], [sflag:$0x1] =	stream.indirect.gather [hbm4b:s2+s18], $0x80, s4, s18, $0xb8;
	[tilespmem:$0x10200] =	vst v63  }
0x90: {  	_ = 	snop  }
0x91: {  	[tilespmem:s14], [sflag:$0x1] =	stream.indirect.gather [hbm4b:s3+s18], $0x80, s31, s18, $0xb8;
	[tilespmem:$0x10200] =	vst v63  }
0x92: {  	s1 =	rddreg [dreg:$0x8]  }
0x93: {  	[tilespmem:s18], [sflag:$0x5] =	stream.linear.gather [hbm4b:s1+s4], $0x80, $0x38;
	[tilespmem:$0x10200] =	vst v63  }
0x94: {  	_ =	swait.ge [sflag:s25], $0x80  }
0x95: {  	[sflag:s25] =	ssyncset.done $0x0  }
0x96: {  	s1 =	rddreg [dreg:$0x9];
	[sflag:s25] =	ssyncadd.s32 $0xFFFFFF80  }
0x97: {  	[tilespmem:s22], [sflag:$0x5] =	stream.linear.gather [hbm4b:s1+s4], $0x80, $0x38;
	[tilespmem:$0x10200] =	vst v63  }
0x98: {  	_ =	swait.ge [sflag:s25], $0x80  }
0x99: {  	[sflag:s25] =	ssyncset.done $0x0  }
0x9a: {  	[sflag:s25] =	ssyncadd.s32 $0xFFFFFF80  }
0x9b: {  	[tilespmem:s10], [sflag:$0x2] =	stream.indirect.gather [hbm4b:s2+s18], $0x80, s18, s18, $0xb8;
	[tilespmem:$0x10200] =	vst v63  }
0x9c: {  	_ = 	snop  }
0x9d: {  	[tilespmem:s11], [sflag:$0x2] =	stream.indirect.gather [hbm4b:s3+s18], $0x80, s22, s18, $0xb8;
	[tilespmem:$0x10200] =	vst v63  }
0x9e: {  	_ =	swait.ge [sflag:s23], $0x4000  }
0x9f: {  	[sflag:s23] =	ssyncset.done $0x0  }
0xa0: {  	[sflag:s23] =	ssyncadd.s32 $0xFFFFC000  }
0xa1: {  	_ =	swait.ge [sflag:s23], $0x4000  }
0xa2: {  	[sflag:s23] =	ssyncset.done $0x0  }
0xa3: {  	[sflag:s23] =	ssyncadd.s32 $0xFFFFC000  }
0xa4: {  	[hbm4b:s28+s15] =	stream.strided.scatter [tilespmem:s13], [sflag:$0x3], $0x4000, s16, s15, $0x38;
	[tilespmem:$0x10200] =	vst v63  }
0xa5: {  	_ = 	snop  }
0xa6: {  	[hbm4b:s29+s15] =	stream.strided.scatter [tilespmem:s14], [sflag:$0x3], $0x4000, s16, s15, $0x38;
	[tilespmem:$0x10200] =	vst v63  }
0xa7: {  	_ = 	snop  }
0xa8: {  	[tilespmem:s4], [sflag:$0x5] =	stream.linear.gather [hbm4b:s30+s4], $0x80, $0x38;
	[tilespmem:$0x10200] =	vst v63  }
0xa9: {  	_ =	swait.ge [sflag:s25], $0x80  }
0xaa: {  	[sflag:s25] =	ssyncset.done $0x0  }
0xab: {  	[sflag:s25] =	ssyncadd.s32 $0xFFFFFF80  }
0xac: {  	[tilespmem:s31], [sflag:$0x5] =	stream.linear.gather [hbm4b:s26+s4], $0x80, $0x38;
	[tilespmem:$0x10200] =	vst v63  }
0xad: {  	_ =	swait.ge [sflag:s25], $0x80  }
0xae: {  	[sflag:s25] =	ssyncset.done $0x0  }
0xaf: {  	[sflag:s25] =	ssyncadd.s32 $0xFFFFFF80  }
0xb0: {  	_ =	swait.ge [sflag:s12], $0x4000  }
0xb1: {  	[sflag:s12] =	ssyncset.done $0x0  }
0xb2: {  	[sflag:s12] =	ssyncadd.s32 $0xFFFFC000  }
0xb3: {  	_ =	swait.ge [sflag:s12], $0x4000  }
0xb4: {  	[sflag:s12] =	ssyncset.done $0x0  }
0xb5: {  	[sflag:s12] =	ssyncadd.s32 $0xFFFFC000  }
0xb6: {  	[tilespmem:s13], [sflag:$0x1] =	stream.indirect.gather [hbm4b:s2+s18], $0x80, s4, s18, $0xb8;
	[tilespmem:$0x10200] =	vst v63  }
0xb7: {  	_ = 	snop  }
0xb8: {  	[tilespmem:s14], [sflag:$0x1] =	stream.indirect.gather [hbm4b:s3+s18], $0x80, s31, s18, $0xb8;
	[tilespmem:$0x10200] =	vst v63  }
0xb9: {  	_ =	swait.ge [sflag:s17], $0x4000  }
0xba: {  	[sflag:s17] =	ssyncset.done $0x0  }
0xbb: {  	[sflag:s17] =	ssyncadd.s32 $0xFFFFC000  }
0xbc: {  	_ =	swait.ge [sflag:s17], $0x4000  }
0xbd: {  	[sflag:s17] =	ssyncset.done $0x0  }
0xbe: {  	[sflag:s17] =	ssyncadd.s32 $0xFFFFC000  }
0xbf: {  	[hbm4b:s20+s15] =	stream.strided.scatter [tilespmem:s10], [sflag:$0x4], $0x4000, s16, s15, $0x38;
	[tilespmem:$0x10200] =	vst v63  }
0xc0: {  	_ = 	snop  }
0xc1: {  	[hbm4b:s21+s15] =	stream.strided.scatter [tilespmem:s11], [sflag:$0x4], $0x4000, s16, s15, $0x38;
	[tilespmem:$0x10200] =	vst v63  }
0xc2: {  	_ = 	snop  }
0xc3: {  	[tilespmem:s18], [sflag:$0x5] =	stream.linear.gather [hbm4b:s24+s4], $0x80, $0x38;
	[tilespmem:$0x10200] =	vst v63  }
0xc4: {  	_ =	swait.ge [sflag:s25], $0x80  }
0xc5: {  	[sflag:s25] =	ssyncset.done $0x0  }
0xc6: {  	[sflag:s25] =	ssyncadd.s32 $0xFFFFFF80  }
0xc7: {  	[tilespmem:s22], [sflag:$0x5] =	stream.linear.gather [hbm4b:s19+s4], $0x80, $0x38;
	[tilespmem:$0x10200] =	vst v63  }
0xc8: {  	_ =	swait.ge [sflag:s25], $0x80  }
0xc9: {  	[sflag:s25] =	ssyncset.done $0x0  }
0xca: {  	[sflag:s25] =	ssyncadd.s32 $0xFFFFFF80  }
0xcb: {  	_ =	swait.ge [sflag:s9], $0x4000  }
0xcc: {  	[sflag:s9] =	ssyncset.done $0x0  }
0xcd: {  	[sflag:s9] =	ssyncadd.s32 $0xFFFFC000  }
0xce: {  	_ =	swait.ge [sflag:s9], $0x4000  }
0xcf: {  	[sflag:s9] =	ssyncset.done $0x0  }
0xd0: {  	[sflag:s9] =	ssyncadd.s32 $0xFFFFC000  }
0xd1: {  	[tilespmem:s10], [sflag:$0x2] =	stream.indirect.gather [hbm4b:s2+s18], $0x80, s18, s18, $0xb8;
	[tilespmem:$0x10200] =	vst v63  }
0xd2: {  	_ = 	snop  }
0xd3: {  	[tilespmem:s11], [sflag:$0x2] =	stream.indirect.gather [hbm4b:s3+s18], $0x80, s22, s18, $0xb8;
	[tilespmem:$0x10200] =	vst v63  }
0xd4: {  	_ =	swait.ge [sflag:s23], $0x4000  }
0xd5: {  	[sflag:s23] =	ssyncset.done $0x0  }
0xd6: {  	[sflag:s23] =	ssyncadd.s32 $0xFFFFC000  }
0xd7: {  	_ =	swait.ge [sflag:s23], $0x4000  }
0xd8: {  	[sflag:s23] =	ssyncset.done $0x0  }
0xd9: {  	[sflag:s23] =	ssyncadd.s32 $0xFFFFC000  }
0xda: {  	[hbm4b:s7+s15] =	stream.strided.scatter [tilespmem:s13], [sflag:$0x3], $0x4000, s16, s15, $0x38;
	[tilespmem:$0x10200] =	vst v63  }
0xdb: {  	_ = 	snop  }
0xdc: {  	[hbm4b:s8+s15] =	stream.strided.scatter [tilespmem:s14], [sflag:$0x3], $0x4000, s16, s15, $0x38;
	[tilespmem:$0x10200] =	vst v63  }
0xdd: {  	_ =	swait.ge [sflag:s17], $0x4000  }
0xde: {  	[sflag:s17] =	ssyncset.done $0x0  }
0xdf: {  	[sflag:s17] =	ssyncadd.s32 $0xFFFFC000  }
0xe0: {  	_ =	swait.ge [sflag:s17], $0x4000  }
0xe1: {  	[sflag:s17] =	ssyncset.done $0x0  }
0xe2: {  	[sflag:s17] =	ssyncadd.s32 $0xFFFFC000  }
0xe3: {  	[hbm4b:s5+s15] =	stream.strided.scatter [tilespmem:s10], [sflag:$0x4], $0x4000, s16, s15, $0x38;
	[tilespmem:$0x10200] =	vst v63  }
0xe4: {  	_ = 	snop  }
0xe5: {  	[hbm4b:s6+s15] =	stream.strided.scatter [tilespmem:s11], [sflag:$0x4], $0x4000, s16, s15, $0x38;
	[tilespmem:$0x10200] =	vst v63  }
0xe6: {  	_ =	swait.ge [sflag:s12], $0x4000  }
0xe7: {  	[sflag:s12] =	ssyncset.done $0x0  }
0xe8: {  	[sflag:s12] =	ssyncadd.s32 $0xFFFFC000  }
0xe9: {  	_ =	swait.ge [sflag:s12], $0x4000  }
0xea: {  	[sflag:s12] =	ssyncset.done $0x0  }
0xeb: {  	p1 =	sne.s32 s0, $0x1;
	[sflag:s12] =	ssyncadd.s32 $0xFFFFC000  }
.Ltmp2:
0xec: {  	_ =	swait.ge [sflag:s9], $0x4000;
	(pc) =	sbr.rel @p1 .LBB2_2-.Ltmp2, $4  }
0xed: {  	[sflag:s9] =	ssyncset.done $0x0  }
0xee: {  	[sflag:s9] =	ssyncadd.s32 $0xFFFFC000  }
0xef: {  	_ =	swait.ge [sflag:s9], $0x4000  }
0xf0: {  	s0 =	sadd.s32 $0xFFFFFFFF, s0;
	s1 =	rddreg [dreg:$0x6];
	[sflag:s9] =	ssyncset.done $0x0  }
.LBB2_3:
0xf1: {  	[sflag:s9] =	ssyncadd.s32 @p0 $0xFFFFC000  }
0xf2: {  	[tilespmem:s4], [sflag:$0x5] =	stream.linear.gather [hbm4b:s1+s4], $0x80, $0x38;
	[tilespmem:$0x10200] =	vst v63  }
0xf3: {  	_ =	swait.ge [sflag:s25], $0x80  }
0xf4: {  	[sflag:s25] =	ssyncset.done $0x0  }
0xf5: {  	s0 =	rddreg [dreg:$0x7];
	[sflag:s25] =	ssyncadd.s32 $0xFFFFFF80  }
0xf6: {  	[tilespmem:s31], [sflag:$0x5] =	stream.linear.gather [hbm4b:s0+s4], $0x80, $0x38;
	[tilespmem:$0x10200] =	vst v63  }
0xf7: {  	_ =	swait.ge [sflag:s25], $0x80  }
0xf8: {  	[sflag:s25] =	ssyncset.done $0x0  }
0xf9: {  	[sflag:s25] =	ssyncadd.s32 $0xFFFFFF80  }
0xfa: {  	[tilespmem:s13], [sflag:$0x1] =	stream.indirect.gather [hbm4b:s2+s18], $0x80, s4, s18, $0xb8;
	[tilespmem:$0x10200] =	vst v63  }
0xfb: {  	_ = 	snop  }
0xfc: {  	[tilespmem:s14], [sflag:$0x1] =	stream.indirect.gather [hbm4b:s3+s18], $0x80, s31, s18, $0xb8;
	[tilespmem:$0x10200] =	vst v63  }
0xfd: {  	s1 =	rddreg [dreg:$0x8]  }
0xfe: {  	[tilespmem:s18], [sflag:$0x5] =	stream.linear.gather [hbm4b:s1+s4], $0x80, $0x38;
	[tilespmem:$0x10200] =	vst v63  }
0xff: {  	_ =	swait.ge [sflag:s25], $0x80  }
0x100: {  	[sflag:s25] =	ssyncset.done $0x0  }
0x101: {  	s1 =	rddreg [dreg:$0x9];
	[sflag:s25] =	ssyncadd.s32 $0xFFFFFF80  }
0x102: {  	[tilespmem:s22], [sflag:$0x5] =	stream.linear.gather [hbm4b:s1+s4], $0x80, $0x38;
	[tilespmem:$0x10200] =	vst v63  }
0x103: {  	_ =	swait.ge [sflag:s25], $0x80  }
0x104: {  	[sflag:s25] =	ssyncset.done $0x0  }
0x105: {  	[sflag:s25] =	ssyncadd.s32 $0xFFFFFF80  }
0x106: {  	[tilespmem:s10], [sflag:$0x2] =	stream.indirect.gather [hbm4b:s2+s18], $0x80, s18, s18, $0xb8;
	[tilespmem:$0x10200] =	vst v63  }
0x107: {  	_ = 	snop  }
0x108: {  	[tilespmem:s11], [sflag:$0x2] =	stream.indirect.gather [hbm4b:s3+s18], $0x80, s22, s18, $0xb8;
	[tilespmem:$0x10200] =	vst v63  }
0x109: {  	_ =	swait.ge [sflag:s23], $0x4000  }
0x10a: {  	[sflag:s23] =	ssyncset.done $0x0  }
0x10b: {  	[sflag:s23] =	ssyncadd.s32 $0xFFFFC000  }
0x10c: {  	_ =	swait.ge [sflag:s23], $0x4000  }
0x10d: {  	[sflag:s23] =	ssyncset.done $0x0  }
0x10e: {  	[sflag:s23] =	ssyncadd.s32 $0xFFFFC000  }
0x10f: {  	[hbm4b:s28+s15] =	stream.strided.scatter [tilespmem:s13], [sflag:$0x3], $0x4000, s16, s15, $0x38;
	[tilespmem:$0x10200] =	vst v63  }
0x110: {  	_ = 	snop  }
0x111: {  	[hbm4b:s29+s15] =	stream.strided.scatter [tilespmem:s14], [sflag:$0x3], $0x4000, s16, s15, $0x38;
	[tilespmem:$0x10200] =	vst v63  }
0x112: {  	_ = 	snop  }
0x113: {  	[tilespmem:s4], [sflag:$0x5] =	stream.linear.gather [hbm4b:s30+s4], $0x80, $0x38;
	[tilespmem:$0x10200] =	vst v63  }
0x114: {  	_ =	swait.ge [sflag:s25], $0x80  }
0x115: {  	[sflag:s25] =	ssyncset.done $0x0  }
0x116: {  	[sflag:s25] =	ssyncadd.s32 $0xFFFFFF80  }
0x117: {  	[tilespmem:s31], [sflag:$0x5] =	stream.linear.gather [hbm4b:s26+s4], $0x80, $0x38;
	[tilespmem:$0x10200] =	vst v63  }
0x118: {  	_ =	swait.ge [sflag:s25], $0x80  }
0x119: {  	[sflag:s25] =	ssyncset.done $0x0  }
0x11a: {  	[sflag:s25] =	ssyncadd.s32 $0xFFFFFF80  }
0x11b: {  	_ =	swait.ge [sflag:s12], $0x4000  }
0x11c: {  	[sflag:s12] =	ssyncset.done $0x0  }
0x11d: {  	[sflag:s12] =	ssyncadd.s32 $0xFFFFC000  }
0x11e: {  	_ =	swait.ge [sflag:s12], $0x4000  }
0x11f: {  	[sflag:s12] =	ssyncset.done $0x0  }
0x120: {  	[sflag:s12] =	ssyncadd.s32 $0xFFFFC000  }
0x121: {  	[tilespmem:s13], [sflag:$0x1] =	stream.indirect.gather [hbm4b:s2+s18], $0x80, s4, s18, $0xb8;
	[tilespmem:$0x10200] =	vst v63  }
0x122: {  	_ = 	snop  }
0x123: {  	[tilespmem:s14], [sflag:$0x1] =	stream.indirect.gather [hbm4b:s3+s18], $0x80, s31, s18, $0xb8;
	[tilespmem:$0x10200] =	vst v63  }
0x124: {  	_ =	swait.ge [sflag:s17], $0x4000  }
0x125: {  	[sflag:s17] =	ssyncset.done $0x0  }
0x126: {  	[sflag:s17] =	ssyncadd.s32 $0xFFFFC000  }
0x127: {  	_ =	swait.ge [sflag:s17], $0x4000  }
0x128: {  	[sflag:s17] =	ssyncset.done $0x0  }
0x129: {  	[sflag:s17] =	ssyncadd.s32 $0xFFFFC000  }
0x12a: {  	[hbm4b:s20+s15] =	stream.strided.scatter [tilespmem:s10], [sflag:$0x4], $0x4000, s16, s15, $0x38;
	[tilespmem:$0x10200] =	vst v63  }
0x12b: {  	_ = 	snop  }
0x12c: {  	[hbm4b:s21+s15] =	stream.strided.scatter [tilespmem:s11], [sflag:$0x4], $0x4000, s16, s15, $0x38;
	[tilespmem:$0x10200] =	vst v63  }
0x12d: {  	_ = 	snop  }
0x12e: {  	[tilespmem:s18], [sflag:$0x5] =	stream.linear.gather [hbm4b:s24+s4], $0x80, $0x38;
	[tilespmem:$0x10200] =	vst v63  }
0x12f: {  	_ =	swait.ge [sflag:s25], $0x80  }
0x130: {  	[sflag:s25] =	ssyncset.done $0x0  }
0x131: {  	[sflag:s25] =	ssyncadd.s32 $0xFFFFFF80  }
0x132: {  	[tilespmem:s22], [sflag:$0x5] =	stream.linear.gather [hbm4b:s19+s4], $0x80, $0x38;
	[tilespmem:$0x10200] =	vst v63  }
0x133: {  	_ =	swait.ge [sflag:s25], $0x80  }
0x134: {  	[sflag:s25] =	ssyncset.done $0x0  }
0x135: {  	[sflag:s25] =	ssyncadd.s32 $0xFFFFFF80  }
0x136: {  	_ =	swait.ge [sflag:s9], $0x4000  }
0x137: {  	[sflag:s9] =	ssyncset.done $0x0  }
0x138: {  	[sflag:s9] =	ssyncadd.s32 $0xFFFFC000  }
0x139: {  	_ =	swait.ge [sflag:s9], $0x4000  }
0x13a: {  	[sflag:s9] =	ssyncset.done $0x0  }
0x13b: {  	[sflag:s9] =	ssyncadd.s32 $0xFFFFC000  }
0x13c: {  	[tilespmem:s10], [sflag:$0x2] =	stream.indirect.gather [hbm4b:s2+s18], $0x80, s18, s18, $0xb8;
	[tilespmem:$0x10200] =	vst v63  }
0x13d: {  	_ = 	snop  }
0x13e: {  	[tilespmem:s11], [sflag:$0x2] =	stream.indirect.gather [hbm4b:s3+s18], $0x80, s22, s18, $0xb8;
	[tilespmem:$0x10200] =	vst v63  }
0x13f: {  	_ =	swait.ge [sflag:s23], $0x4000  }
0x140: {  	[sflag:s23] =	ssyncset.done $0x0  }
0x141: {  	[sflag:s23] =	ssyncadd.s32 $0xFFFFC000  }
0x142: {  	_ =	swait.ge [sflag:s23], $0x4000  }
0x143: {  	[sflag:s23] =	ssyncset.done $0x0  }
0x144: {  	[sflag:s23] =	ssyncadd.s32 $0xFFFFC000  }
0x145: {  	[hbm4b:s7+s15] =	stream.strided.scatter [tilespmem:s13], [sflag:$0x3], $0x4000, s16, s15, $0x38;
	[tilespmem:$0x10200] =	vst v63  }
0x146: {  	_ = 	snop  }
0x147: {  	[hbm4b:s8+s15] =	stream.strided.scatter [tilespmem:s14], [sflag:$0x3], $0x4000, s16, s15, $0x38;
	[tilespmem:$0x10200] =	vst v63  }
0x148: {  	_ =	swait.ge [sflag:s17], $0x4000  }
0x149: {  	[sflag:s17] =	ssyncset.done $0x0  }
0x14a: {  	[sflag:s17] =	ssyncadd.s32 $0xFFFFC000  }
0x14b: {  	_ =	swait.ge [sflag:s17], $0x4000  }
0x14c: {  	[sflag:s17] =	ssyncset.done $0x0  }
0x14d: {  	[sflag:s17] =	ssyncadd.s32 $0xFFFFC000  }
0x14e: {  	[hbm4b:s5+s15] =	stream.strided.scatter [tilespmem:s10], [sflag:$0x4], $0x4000, s16, s15, $0x38;
	[tilespmem:$0x10200] =	vst v63  }
0x14f: {  	_ = 	snop  }
0x150: {  	[hbm4b:s6+s15] =	stream.strided.scatter [tilespmem:s11], [sflag:$0x4], $0x4000, s16, s15, $0x38;
	[tilespmem:$0x10200] =	vst v63  }
0x151: {  	_ =	swait.ge [sflag:s12], $0x4000  }
0x152: {  	[sflag:s12] =	ssyncset.done $0x0  }
0x153: {  	[sflag:s12] =	ssyncadd.s32 $0xFFFFC000  }
0x154: {  	_ =	swait.ge [sflag:s12], $0x4000  }
0x155: {  	[sflag:s12] =	ssyncset.done $0x0  }
0x156: {  	[sflag:s12] =	ssyncadd.s32 $0xFFFFC000  }
0x157: {  	_ =	swait.ge [sflag:s9], $0x4000  }
0x158: {  	[sflag:s9] =	ssyncset.done $0x0  }
0x159: {  	[sflag:s9] =	ssyncadd.s32 $0xFFFFC000  }
0x15a: {  	_ =	swait.ge [sflag:s9], $0x4000  }
0x15b: {  	[sflag:s9] =	ssyncset.done $0x0  }
0x15c: {  	[sflag:s9] =	ssyncadd.s32 $0xFFFFC000  }
0x15d: {  	_ =	sfence.sel $0x180000  }
0x15e: {  	[bflag:$0x0] =	sbarrier.arrive $0xFFFF  }
0x15f: {  	_ =	strace $0x9000004A  }
0x160: {  	s31 =	stileid.u32;
	[bflag:$0x2] =	sbarrier.arrive $0xFFFF  }
0x161: {  	p0 =	sne.s32 s31, $0x0;
	s0 =	rddreg [dreg:$0x5]  }
0x162: {  	s0 =	sadd.s32 @!p0 $0x100000, s0  }
0x163: {  	[sflag:s0] =	ssyncadd.tile.s32 @!p0 $0x1;
	_ =	shalt  }
.Lfunc_end2:
_tile_overlayer_lowered:
.L_overlay_start_2:
0x164: {  	(tag) =	ssettag $0x2  }
0x165: {  	s0 =	rddreg [dreg:$0x0];
	s2 =	stileid.u32  }
0x166: {  	s1 =	rddreg [dreg:$0x1];
	p0 =	sne.s32 s2, $0x0  }
0x167: {  	s3 =	rddreg [dreg:$0x2];
	[bflag:$0x3] =	sbarrier.arrive $0xFFFF;
	s2 =	simm.s32 @!p0 $0x1C05  }
0x168: {  	[timem:s3], [sflag:s2] =	dma.local @!p0 [hbm:s0], s1  }
0x169: {  	s0 =	simm.s32 @!p0 $0x5  }
0x16a: {  	_ =	swait.ge @!p0 [sflag:s0], s1  }
0x16b: {  	s1 =	ssub.s32 @!p0 $0x0, s1;
	[sflag:s0] =	ssyncset.done @!p0 $0x0  }
0x16c: {  	[sflag:s0] =	ssyncadd.s32 @!p0 s1  }
0x16d: {  	[bflag:$0x3] =	sbarrier.arrive $0xFFFF  }
0x16e: {  	_ =	shalt  }

</sc_bundles>
